<compile_context>
chip_gen: v7x
topology: tpu7x:2x2x1
jax: 0.10.2.dev20260603
libtpu: 0.0.44.dev20260713+nightly
codegen_flags: <defaults>
</compile_context>

<pallas_src>
import jax
import jax.numpy as jnp
from jax import lax
from jax.experimental import pallas as pl
from jax.experimental.pallas import tpu as pltpu
from jax.experimental.pallas import tpu_sc as plsc

T = 4
N_SRC = 100000
N_DST = 12288
E = 1600000
HID = 128

NC = 2
NS = 16
TPC = T // NC

NSRC_P = 100096
SRC_SL = NSRC_P // NS
DSTP = N_DST + 128
DST_SL = DSTP // NS
OUT_SL = N_DST // NS

E_P = 1638400
EPS = E_P // NS
SB = 5120
NB = EPS // SB
NSLOT = 5
NR = NB // NSLOT


def _rsqrt16(d):
    bi = lax.bitcast_convert_type(d, jnp.int32)
    bi = jnp.int32(0x5F3759DF) - lax.shift_right_arithmetic(bi, 1)
    y = lax.bitcast_convert_type(bi, jnp.float32)
    for _ in range(3):
        y = y * (1.5 - 0.5 * d * y * y)
    return y


def _sc_body(x_hbm, es_hbm, ed_hbm, out_hbm,
             deg_sh, h_sh, agg_sh, din_sh, *scr):
    sidx = list(scr[0:NSLOT])
    didx = list(scr[NSLOT:2 * NSLOT])
    vals = list(scr[2 * NSLOT:3 * NSLOT])
    ones_b, zbuf, xbuf, dbuf, hbuf = scr[3 * NSLOT:3 * NSLOT + 5]
    base = 3 * NSLOT + 5
    sem_st = list(scr[base:base + NSLOT])
    sem_g = list(scr[base + NSLOT:base + 2 * NSLOT])
    sem_sc = list(scr[base + 2 * NSLOT:base + 3 * NSLOT])
    c = lax.axis_index("c")
    s = lax.axis_index("s")

    def _fill_z(i, _):
        zbuf[pl.ds(i * 16, 16)] = jnp.zeros((16,), jnp.float32)
        return 0
    lax.fori_loop(0, SRC_SL // 16, _fill_z, 0)

    def _fill_o(i, _):
        ones_b[pl.ds(i * 16, 16)] = jnp.ones((16,), jnp.float32)
        return 0
    lax.fori_loop(0, SB // 16, _fill_o, 0)


    def per_t(i, _):
        t = c * TPC + i
        e_base = t * E_P + s * EPS
        plsc.subcore_barrier()
        pltpu.sync_copy(zbuf, deg_sh.at[pl.ds(s * SRC_SL, SRC_SL)])
        pltpu.sync_copy(zbuf.at[pl.ds(0, DST_SL)],
                        agg_sh.at[pl.ds(s * DST_SL, DST_SL)])
        pltpu.sync_copy(zbuf.at[pl.ds(0, DST_SL)],
                        din_sh.at[pl.ds(s * DST_SL, DST_SL)])
        plsc.subcore_barrier()

        def _st_s(r, blk):
            e0 = pl.multiple_of(e_base + blk * SB, 8)
            pltpu.async_copy(es_hbm.at[pl.ds(e0, SB)], sidx[r], sem_st[r])

        def _st_s_wait(r):
            pltpu.make_async_copy(es_hbm.at[pl.ds(0, SB)], sidx[r],
                                  sem_st[r]).wait()

        def _sc_wait(r):
            pltpu.make_async_copy(x_hbm.at[pl.ds(0, SB)], vals[r],
                                  sem_sc[r]).wait()

        for r in range(3):
            _st_s(r, r)

        def p1(k, _):
            for r in range(NSLOT):
                blk = k * NSLOT + r
                _st_s_wait(r)
                pltpu.async_copy(ones_b, deg_sh.at[sidx[r]], sem_sc[r],
                                 add=True)
                rw = (r - 2) % NSLOT
                if r >= 2:
                    _sc_wait(rw)
                else:
                    @pl.when(k > 0)
                    def _():
                        _sc_wait(rw)
                rf = (r + 3) % NSLOT
                if r < 2:
                    _st_s(rf, blk + 3)
                else:
                    @pl.when(k < NR - 1)
                    def _():
                        _st_s(rf, blk + 3)
            return 0
        lax.fori_loop(0, NR, p1, 0)
        _sc_wait((NB - 2) % NSLOT)
        _sc_wait((NB - 1) % NSLOT)
        plsc.subcore_barrier()

        x_off = pl.multiple_of(t * NSRC_P + s * SRC_SL, 16)
        pltpu.sync_copy(deg_sh.at[pl.ds(s * SRC_SL, SRC_SL)], dbuf)
        pltpu.sync_copy(x_hbm.at[pl.ds(x_off, SRC_SL)], xbuf)

        def p2(k, _):
            d = jnp.maximum(dbuf[pl.ds(k * 16, 16)], 1.0)
            y = _rsqrt16(d)
            xv = xbuf[pl.ds(k * 16, 16)]
            xv = jnp.where(xv == xv, xv, 0.0)
            hbuf[pl.ds(k * 16, 16)] = xv * y
            return 0
        lax.fori_loop(0, SRC_SL // 16, p2, 0)
        pltpu.sync_copy(hbuf, h_sh.at[pl.ds(s * SRC_SL, SRC_SL)])
        plsc.subcore_barrier()

        def _st_sd(r, blk):
            e0 = pl.multiple_of(e_base + blk * SB, 8)
            pltpu.async_copy(es_hbm.at[pl.ds(e0, SB)], sidx[r], sem_st[r])
            pltpu.async_copy(ed_hbm.at[pl.ds(e0, SB)], didx[r], sem_st[r])

        def _st_sd_wait(r):
            pltpu.make_async_copy(es_hbm.at[pl.ds(0, SB)], sidx[r],
                                  sem_st[r]).wait()
            pltpu.make_async_copy(es_hbm.at[pl.ds(0, SB)], didx[r],
                                  sem_st[r]).wait()

        def _g_fire(r):
            pltpu.async_copy(h_sh.at[sidx[r]], vals[r], sem_g[r])

        def _g_wait(r):
            pltpu.make_async_copy(x_hbm.at[pl.ds(0, SB)], vals[r],
                                  sem_g[r]).wait()

        def _sc2_wait(r):
            _sc_wait(r)
            _sc_wait(r)

        for r in range(3):
            _st_sd(r, r)
        for r in range(2):
            _st_sd_wait(r)
            _g_fire(r)

        def p3(k, _):
            for r in range(NSLOT):
                blk = k * NSLOT + r
                _g_wait(r)
                pltpu.async_copy(vals[r], agg_sh.at[didx[r]], sem_sc[r],
                                 add=True)
                pltpu.async_copy(ones_b, din_sh.at[didx[r]], sem_sc[r],
                                 add=True)
                rw = (r - 2) % NSLOT
                if r >= 2:
                    _sc2_wait(rw)
                else:
                    @pl.when(k > 0)
                    def _():
                        _sc2_wait(rw)
                rg = (r + 2) % NSLOT
                if r < NSLOT - 2:
                    _st_sd_wait(rg)
                    _g_fire(rg)
                else:
                    @pl.when(k < NR - 1)
                    def _():
                        _st_sd_wait(rg)
                        _g_fire(rg)
                rf = (r + 3) % NSLOT
                if r < 2:
                    _st_sd(rf, blk + 3)
                else:
                    @pl.when(k < NR - 1)
                    def _():
                        _st_sd(rf, blk + 3)
            return 0
        lax.fori_loop(0, NR, p3, 0)
        _sc2_wait((NB - 2) % NSLOT)
        _sc2_wait((NB - 1) % NSLOT)
        plsc.subcore_barrier()

        o_agg = pl.multiple_of(t * N_DST + s * OUT_SL, 16)
        o_din = pl.multiple_of((T + t) * N_DST + s * OUT_SL, 16)
        pltpu.sync_copy(agg_sh.at[pl.ds(s * OUT_SL, OUT_SL)],
                        hbuf.at[pl.ds(0, OUT_SL)])
        pltpu.sync_copy(hbuf.at[pl.ds(0, OUT_SL)],
                        out_hbm.at[pl.ds(o_agg, OUT_SL)])
        pltpu.sync_copy(din_sh.at[pl.ds(s * OUT_SL, OUT_SL)],
                        hbuf.at[pl.ds(0, OUT_SL)])
        pltpu.sync_copy(hbuf.at[pl.ds(0, OUT_SL)],
                        out_hbm.at[pl.ds(o_din, OUT_SL)])
        return 0

    lax.fori_loop(0, TPC, per_t, 0)


def _sc_call(x2, es, ed):
    mesh = plsc.VectorSubcoreMesh(
        core_axis_name="c", subcore_axis_name="s",
        num_cores=NC, num_subcores=NS)
    f = pl.kernel(
        _sc_body,
        out_type=jax.ShapeDtypeStruct((2 * T * N_DST,), jnp.float32),
        mesh=mesh,
        scratch_types=[
            pltpu.VMEM_SHARED((NSRC_P,), jnp.float32),
            pltpu.VMEM_SHARED((NSRC_P,), jnp.float32),
            pltpu.VMEM_SHARED((DSTP,), jnp.float32),
            pltpu.VMEM_SHARED((DSTP,), jnp.float32),
            *[pltpu.VMEM((SB,), jnp.int32) for _ in range(NSLOT)],
            *[pltpu.VMEM((SB,), jnp.int32) for _ in range(NSLOT)],
            *[pltpu.VMEM((SB,), jnp.float32) for _ in range(NSLOT)],
            pltpu.VMEM((SB,), jnp.float32),
            pltpu.VMEM((SRC_SL,), jnp.float32),
            pltpu.VMEM((SRC_SL,), jnp.float32),
            pltpu.VMEM((SRC_SL,), jnp.float32),
            pltpu.VMEM((SRC_SL,), jnp.float32),
            *[pltpu.SemaphoreType.DMA for _ in range(NSLOT)],
            *[pltpu.SemaphoreType.DMA for _ in range(NSLOT)],
            *[pltpu.SemaphoreType.DMA for _ in range(NSLOT)],
        ],
    )
    return f(x2, es, ed)


def _tc_body(part_ref, w_ref, b_ref, out_ref):
    p = part_ref[...]
    agg = p[0:T, :]
    din = jnp.maximum(p[T:2 * T, :], 1.0)
    sc = agg * lax.rsqrt(din)
    st = sc.T
    y = st[:, :, None] * w_ref[...][None, :, :] + b_ref[...][None, :, :]
    y = jnp.where(y > 0, y, 0.01 * y)
    out_ref[...] = y[:, None, :, :]


def _tc_call(part, W2, b):
    BD = 1024
    grid = (N_DST // BD,)
    return pl.pallas_call(
        _tc_body,
        grid=grid,
        in_specs=[
            pl.BlockSpec((2 * T, BD), lambda i: (0, i)),
            pl.BlockSpec((T, HID), lambda i: (0, 0)),
            pl.BlockSpec((T, HID), lambda i: (0, 0)),
        ],
        out_specs=pl.BlockSpec((BD, 1, T, HID), lambda i: (i, 0, 0, 0)),
        out_shape=jax.ShapeDtypeStruct((N_DST, 1, T, HID), jnp.float32),
    )(part, W2, b)


def kernel(x, edge_src, edge_dst, W, b):
    x2 = jnp.pad(x[..., 0], ((0, 0), (0, NSRC_P - N_SRC))).reshape(-1)
    pad_n = E_P - E
    src_pad = (N_SRC + (jnp.arange(pad_n, dtype=jnp.int32) % (NSRC_P - N_SRC)))
    dst_pad = (N_DST + (jnp.arange(pad_n, dtype=jnp.int32) % (DSTP - N_DST)))
    es = jnp.concatenate(
        [edge_src.astype(jnp.int32),
         jnp.broadcast_to(src_pad[None], (T, pad_n))], axis=1).reshape(-1)
    ed = jnp.concatenate(
        [edge_dst.astype(jnp.int32),
         jnp.broadcast_to(dst_pad[None], (T, pad_n))], axis=1).reshape(-1)

    part = _sc_call(x2, es, ed).reshape(2 * T, N_DST)
    W2 = W.reshape(T, HID)
    return _tc_call(part, W2, b)

# --- scband reference (transcript-rebuilt; emitter-appended) ---
"""Pipeline reference for scband-graph-encoder-1778116460939 (READ-ONLY COPY).

The authoritative reference and input builder live on the scoring server;
editing this copy changes nothing except your own understanding.
"""

import jax, jax.numpy as jnp
import numpy as np

N_SRC = 100000
N_DST = 12288
T = 4
HID = 128
E = 1600000


def setup_inputs(seed: int = 0) -> dict:
    key = jax.random.key(seed)
    k1, k2, k3, k4 = jax.random.split(key, 4)
    x = jax.random.normal(k1, (T, N_SRC, 1), dtype=jnp.float32)
    edge_src = jax.random.randint(k2, (T, E), 0, N_SRC, dtype=jnp.int64)
    edge_dst = jax.random.randint(k3, (T, E), 0, N_DST, dtype=jnp.int64)
    W = jax.random.normal(k4, (T, 1, HID), dtype=jnp.float32) * (1.0 / np.sqrt(1.0))
    b = jnp.zeros((T, HID), dtype=jnp.float32)
    return {"x": x, "edge_src": edge_src, "edge_dst": edge_dst, "W": W, "b": b}


def _graph_conv(xt, src, dst, Wt, bt):
    # DGL GraphConv with norm='both', bipartite (src -> dst healpix)
    deg_out = jnp.maximum(jnp.bincount(src, length=N_SRC).astype(jnp.float32), 1.0)
    deg_in = jnp.maximum(jnp.bincount(dst, length=N_DST).astype(jnp.float32), 1.0)
    h = xt * jax.lax.rsqrt(deg_out)[:, None]
    # in_feats(1) < out_feats(128): aggregate first, then apply weight
    msg = h[src]
    agg = jax.ops.segment_sum(msg, dst, num_segments=N_DST)
    agg = agg * jax.lax.rsqrt(deg_in)[:, None]
    y = agg @ Wt + bt
    # LeakyReLU activation (negative_slope=0.01)
    return jnp.where(y > 0, y, 0.01 * y)


def reference(x, edge_src, edge_dst, W, b):
    outs = []
    for t in range(T):
        xt = jnp.nan_to_num(x[t], nan=0.0)
        outs.append(_graph_conv(xt, edge_src[t], edge_dst[t], W[t], b[t]))
    # stack over timesteps: [N_dst, T, H]
    concatenated_feature = jnp.stack(outs, axis=1)
    # outer stack over the single feature node-type: [N_dst, 1, T, H]
    final_feature_tensor = jnp.stack([concatenated_feature], axis=1)
    return final_feature_tensor

if __name__ == "__main__":
    import jax
    _d = setup_inputs()
    print(jax.jit(kernel)(*tuple(_d.values())))

</pallas_src>

<mosaic_0001>
#map = affine_map<(d0, d1) -> (0)>
module attributes {stable_mosaic.version = 14 : i64} {
  func.func @_sc_body(%arg0: i32, %arg1: i32, %arg2: memref<400384xf32, #tpu.memory_space<hbm>>, %arg3: memref<6553600xi32, #tpu.memory_space<hbm>>, %arg4: memref<6553600xi32, #tpu.memory_space<hbm>>, %arg5: memref<98304xf32, #tpu.memory_space<hbm>>, %arg6: memref<100096xf32, #tpu.memory_space<vmem_shared>>, %arg7: memref<100096xf32, #tpu.memory_space<vmem_shared>>, %arg8: memref<12416xf32, #tpu.memory_space<vmem_shared>>, %arg9: memref<12416xf32, #tpu.memory_space<vmem_shared>>, %arg10: memref<5120xi32, #tpu.memory_space<vmem>>, %arg11: memref<5120xi32, #tpu.memory_space<vmem>>, %arg12: memref<5120xi32, #tpu.memory_space<vmem>>, %arg13: memref<5120xi32, #tpu.memory_space<vmem>>, %arg14: memref<5120xi32, #tpu.memory_space<vmem>>, %arg15: memref<5120xi32, #tpu.memory_space<vmem>>, %arg16: memref<5120xi32, #tpu.memory_space<vmem>>, %arg17: memref<5120xi32, #tpu.memory_space<vmem>>, %arg18: memref<5120xi32, #tpu.memory_space<vmem>>, %arg19: memref<5120xi32, #tpu.memory_space<vmem>>, %arg20: memref<5120xf32, #tpu.memory_space<vmem>>, %arg21: memref<5120xf32, #tpu.memory_space<vmem>>, %arg22: memref<5120xf32, #tpu.memory_space<vmem>>, %arg23: memref<5120xf32, #tpu.memory_space<vmem>>, %arg24: memref<5120xf32, #tpu.memory_space<vmem>>, %arg25: memref<5120xf32, #tpu.memory_space<vmem>>, %arg26: memref<6256xf32, #tpu.memory_space<vmem>>, %arg27: memref<6256xf32, #tpu.memory_space<vmem>>, %arg28: memref<6256xf32, #tpu.memory_space<vmem>>, %arg29: memref<6256xf32, #tpu.memory_space<vmem>>, %arg30: memref<!tpu.dma_semaphore, #tpu.memory_space<semaphore_mem>>, %arg31: memref<!tpu.dma_semaphore, #tpu.memory_space<semaphore_mem>>, %arg32: memref<!tpu.dma_semaphore, #tpu.memory_space<semaphore_mem>>, %arg33: memref<!tpu.dma_semaphore, #tpu.memory_space<semaphore_mem>>, %arg34: memref<!tpu.dma_semaphore, #tpu.memory_space<semaphore_mem>>, %arg35: memref<!tpu.dma_semaphore, #tpu.memory_space<semaphore_mem>>, %arg36: memref<!tpu.dma_semaphore, #tpu.memory_space<semaphore_mem>>, %arg37: memref<!tpu.dma_semaphore, #tpu.memory_space<semaphore_mem>>, %arg38: memref<!tpu.dma_semaphore, #tpu.memory_space<semaphore_mem>>, %arg39: memref<!tpu.dma_semaphore, #tpu.memory_space<semaphore_mem>>, %arg40: memref<!tpu.dma_semaphore, #tpu.memory_space<semaphore_mem>>, %arg41: memref<!tpu.dma_semaphore, #tpu.memory_space<semaphore_mem>>, %arg42: memref<!tpu.dma_semaphore, #tpu.memory_space<semaphore_mem>>, %arg43: memref<!tpu.dma_semaphore, #tpu.memory_space<semaphore_mem>>, %arg44: memref<!tpu.dma_semaphore, #tpu.memory_space<semaphore_mem>>) attributes {dimension_semantics = [#tpu.dimension_semantics<core_parallel>, #tpu.dimension_semantics<subcore_parallel>], iteration_bounds = array<i64: 2, 16>, scalar_prefetch = 0 : i64, scratch_operands = 39 : i64, tpu.core_type = #tpu.core_type<sc_vector_subcore>, window_params = [{transform_indices = #map}, {transform_indices = #map}, {transform_indices = #map}, {transform_indices = #map}]} {
    %scan3A = arith.constant 0 : i32
    %scan3A_0 = arith.constant 0 : i32
    %scan3A_1 = arith.constant 391 : i32
    %scan3A_2 = arith.addi %scan3A_0, %scan3A_1 : i32
    %scan3A_3 = arith.constant 1 : i32
    %scan3A_4 = scf.for %scan3A_20 = %scan3A_0 to %scan3A_2 step %scan3A_3 iter_args(%scan3A_21 = %scan3A) -> (i32)  : i32 {
      %broadcast_in_dim3A = arith.constant 0.000000e+00 : f32
      %broadcast_in_dim3A_22 = vector.broadcast %broadcast_in_dim3A : f32 to vector<16xf32>
      %mul3A = arith.constant 16 : i32
      %mul3A_23 = arith.muli %scan3A_20, %mul3A : i32
      %swap3A = arith.index_cast %mul3A_23 : i32 to index
      %swap3A_24 = tpu.vector_load %arg26[%swap3A] {strides = array<i32>} : memref<6256xf32, #tpu.memory_space<vmem>>, vector<16xf32>,
      %swap3A_25 = vector.shape_cast %swap3A_24 : vector<16xf32> to vector<16xf32>
      %swap3A_26 = vector.shape_cast %broadcast_in_dim3A_22 : vector<16xf32> to vector<16xf32>
      tpu.vector_store %arg26[%swap3A], %swap3A_26 {strides = array<i32>} : memref<6256xf32, #tpu.memory_space<vmem>>, vector<16xf32>,
      %scan3A_27 = arith.constant 0 : i32
      scf.yield %scan3A_27 : i32
    }
    %scan3A_5 = arith.constant 391 : i32
    %scan3A_6 = arith.constant 0 : i32
    %scan3A_7 = arith.constant 0 : i32
    %scan3A_8 = arith.constant 320 : i32
    %scan3A_9 = arith.addi %scan3A_7, %scan3A_8 : i32
    %scan3A_10 = arith.constant 1 : i32
    %scan3A_11 = scf.for %scan3A_20 = %scan3A_7 to %scan3A_9 step %scan3A_10 iter_args(%scan3A_21 = %scan3A_6) -> (i32)  : i32 {
      %broadcast_in_dim3A = arith.constant 1.000000e+00 : f32
      %broadcast_in_dim3A_22 = vector.broadcast %broadcast_in_dim3A : f32 to vector<16xf32>
      %mul3A = arith.constant 16 : i32
      %mul3A_23 = arith.muli %scan3A_20, %mul3A : i32
      %swap3A = arith.index_cast %mul3A_23 : i32 to index
      %swap3A_24 = tpu.vector_load %arg25[%swap3A] {strides = array<i32>} : memref<5120xf32, #tpu.memory_space<vmem>>, vector<16xf32>,
      %swap3A_25 = vector.shape_cast %swap3A_24 : vector<16xf32> to vector<16xf32>
      %swap3A_26 = vector.shape_cast %broadcast_in_dim3A_22 : vector<16xf32> to vector<16xf32>
      tpu.vector_store %arg25[%swap3A], %swap3A_26 {strides = array<i32>} : memref<5120xf32, #tpu.memory_space<vmem>>, vector<16xf32>,
      %scan3A_27 = arith.constant 0 : i32
      scf.yield %scan3A_27 : i32
    }
    %scan3A_12 = arith.constant 320 : i32
    %scan3A_13 = arith.constant 0 : i32
    %scan3A_14 = arith.constant 0 : i32
    %scan3A_15 = arith.constant 2 : i32
    %scan3A_16 = arith.addi %scan3A_14, %scan3A_15 : i32
    %scan3A_17 = arith.constant 1 : i32
    %scan3A_18 = scf.for %scan3A_20 = %scan3A_14 to %scan3A_16 step %scan3A_17 iter_args(%scan3A_21 = %scan3A_13) -> (i32)  : i32 {
      %mul3A = arith.constant 2 : i32
      %mul3A_22 = arith.muli %arg0, %mul3A : i32
      %add3A = arith.addi %mul3A_22, %scan3A_20 : i32
      %mul3A_23 = arith.constant 1638400 : i32
      %mul3A_24 = arith.muli %add3A, %mul3A_23 : i32
      %mul3A_25 = arith.constant 102400 : i32
      %mul3A_26 = arith.muli %arg1, %mul3A_25 : i32
      %add3A_27 = arith.addi %mul3A_24, %mul3A_26 : i32
      %barrier3A = arith.constant 0 : index
      tpu.barrier barrier_id(%barrier3A)
      %mul3A_28 = arith.constant 6256 : i32
      %mul3A_29 = arith.muli %arg1, %mul3A_28 : i32
      "tpu.region"() ({
        %run_scoped3A = tpu.sem_alloc : memref<!tpu.dma_semaphore, #tpu.memory_space<semaphore_mem>>
        %dma_start3A_165 = tpu.memref_slice %arg6[%mul3A_29] : memref<100096xf32, #tpu.memory_space<vmem_shared>> -> memref<6256xf32, #tpu.memory_space<vmem_shared>>
        %dma_start3A_166 = tpu.memref_slice %arg6[%mul3A_29] : memref<100096xf32, #tpu.memory_space<vmem_shared>> -> memref<6256xf32, #tpu.memory_space<vmem_shared>>
        tpu.enqueue_dma source(%arg26 : memref<6256xf32, #tpu.memory_space<vmem>>) target(%dma_start3A_166 : memref<6256xf32, #tpu.memory_space<vmem_shared>>) target_semaphore(%run_scoped3A : memref<!tpu.dma_semaphore, #tpu.memory_space<semaphore_mem>>)
        %dma_wait3A_167 = tpu.memref_slice %arg6[%mul3A_29] : memref<100096xf32, #tpu.memory_space<vmem_shared>> -> memref<6256xf32, #tpu.memory_space<vmem_shared>>
        %dma_wait3A_168 = tpu.memref_slice %arg6[%mul3A_29] : memref<100096xf32, #tpu.memory_space<vmem_shared>> -> memref<6256xf32, #tpu.memory_space<vmem_shared>>
        tpu.wait_dma2 semaphore(%run_scoped3A : memref<!tpu.dma_semaphore, #tpu.memory_space<semaphore_mem>>) src(%arg26 : memref<6256xf32, #tpu.memory_space<vmem>>) dst(%dma_wait3A_168 : memref<6256xf32, #tpu.memory_space<vmem_shared>>)
        tpu.yield
      }) : () -> ()
      %mul3A_30 = arith.constant 776 : i32
      %mul3A_31 = arith.muli %arg1, %mul3A_30 : i32
      "tpu.region"() ({
        %run_scoped3A = tpu.sem_alloc : memref<!tpu.dma_semaphore, #tpu.memory_space<semaphore_mem>>
        %dma_start3A_165 = arith.constant 0 : i32
        %dma_start3A_166 = tpu.memref_slice %arg26[%dma_start3A_165] : memref<6256xf32, #tpu.memory_space<vmem>> -> memref<776xf32, #tpu.memory_space<vmem>>
        %dma_start3A_167 = tpu.memref_slice %arg8[%mul3A_31] : memref<12416xf32, #tpu.memory_space<vmem_shared>> -> memref<776xf32, #tpu.memory_space<vmem_shared>>
        %dma_start3A_168 = tpu.memref_slice %arg8[%mul3A_31] : memref<12416xf32, #tpu.memory_space<vmem_shared>> -> memref<776xf32, #tpu.memory_space<vmem_shared>>
        %dma_start3A_169 = arith.constant 0 : i32
        %dma_start3A_170 = tpu.memref_slice %arg26[%dma_start3A_169] : memref<6256xf32, #tpu.memory_space<vmem>> -> memref<776xf32, #tpu.memory_space<vmem>>
        tpu.enqueue_dma source(%dma_start3A_170 : memref<776xf32, #tpu.memory_space<vmem>>) target(%dma_start3A_168 : memref<776xf32, #tpu.memory_space<vmem_shared>>) target_semaphore(%run_scoped3A : memref<!tpu.dma_semaphore, #tpu.memory_space<semaphore_mem>>)
        %dma_wait3A_171 = arith.constant 0 : i32
        %dma_wait3A_172 = tpu.memref_slice %arg26[%dma_wait3A_171] : memref<6256xf32, #tpu.memory_space<vmem>> -> memref<776xf32, #tpu.memory_space<vmem>>
        %dma_wait3A_173 = tpu.memref_slice %arg8[%mul3A_31] : memref<12416xf32, #tpu.memory_space<vmem_shared>> -> memref<776xf32, #tpu.memory_space<vmem_shared>>
        %dma_wait3A_174 = tpu.memref_slice %arg8[%mul3A_31] : memref<12416xf32, #tpu.memory_space<vmem_shared>> -> memref<776xf32, #tpu.memory_space<vmem_shared>>
        %dma_wait3A_175 = arith.constant 0 : i32
        %dma_wait3A_176 = tpu.memref_slice %arg26[%dma_wait3A_175] : memref<6256xf32, #tpu.memory_space<vmem>> -> memref<776xf32, #tpu.memory_space<vmem>>
        tpu.wait_dma2 semaphore(%run_scoped3A : memref<!tpu.dma_semaphore, #tpu.memory_space<semaphore_mem>>) src(%dma_wait3A_176 : memref<776xf32, #tpu.memory_space<vmem>>) dst(%dma_wait3A_174 : memref<776xf32, #tpu.memory_space<vmem_shared>>)
        tpu.yield
      }) : () -> ()
      %mul3A_32 = arith.constant 776 : i32
      %mul3A_33 = arith.muli %arg1, %mul3A_32 : i32
      "tpu.region"() ({
        %run_scoped3A = tpu.sem_alloc : memref<!tpu.dma_semaphore, #tpu.memory_space<semaphore_mem>>
        %dma_start3A_165 = arith.constant 0 : i32
        %dma_start3A_166 = tpu.memref_slice %arg26[%dma_start3A_165] : memref<6256xf32, #tpu.memory_space<vmem>> -> memref<776xf32, #tpu.memory_space<vmem>>
        %dma_start3A_167 = tpu.memref_slice %arg9[%mul3A_33] : memref<12416xf32, #tpu.memory_space<vmem_shared>> -> memref<776xf32, #tpu.memory_space<vmem_shared>>
        %dma_start3A_168 = tpu.memref_slice %arg9[%mul3A_33] : memref<12416xf32, #tpu.memory_space<vmem_shared>> -> memref<776xf32, #tpu.memory_space<vmem_shared>>
        %dma_start3A_169 = arith.constant 0 : i32
        %dma_start3A_170 = tpu.memref_slice %arg26[%dma_start3A_169] : memref<6256xf32, #tpu.memory_space<vmem>> -> memref<776xf32, #tpu.memory_space<vmem>>
        tpu.enqueue_dma source(%dma_start3A_170 : memref<776xf32, #tpu.memory_space<vmem>>) target(%dma_start3A_168 : memref<776xf32, #tpu.memory_space<vmem_shared>>) target_semaphore(%run_scoped3A : memref<!tpu.dma_semaphore, #tpu.memory_space<semaphore_mem>>)
        %dma_wait3A_171 = arith.constant 0 : i32
        %dma_wait3A_172 = tpu.memref_slice %arg26[%dma_wait3A_171] : memref<6256xf32, #tpu.memory_space<vmem>> -> memref<776xf32, #tpu.memory_space<vmem>>
        %dma_wait3A_173 = tpu.memref_slice %arg9[%mul3A_33] : memref<12416xf32, #tpu.memory_space<vmem_shared>> -> memref<776xf32, #tpu.memory_space<vmem_shared>>
        %dma_wait3A_174 = tpu.memref_slice %arg9[%mul3A_33] : memref<12416xf32, #tpu.memory_space<vmem_shared>> -> memref<776xf32, #tpu.memory_space<vmem_shared>>
        %dma_wait3A_175 = arith.constant 0 : i32
        %dma_wait3A_176 = tpu.memref_slice %arg26[%dma_wait3A_175] : memref<6256xf32, #tpu.memory_space<vmem>> -> memref<776xf32, #tpu.memory_space<vmem>>
        tpu.wait_dma2 semaphore(%run_scoped3A : memref<!tpu.dma_semaphore, #tpu.memory_space<semaphore_mem>>) src(%dma_wait3A_176 : memref<776xf32, #tpu.memory_space<vmem>>) dst(%dma_wait3A_174 : memref<776xf32, #tpu.memory_space<vmem_shared>>)
        tpu.yield
      }) : () -> ()
      %barrier3A_34 = arith.constant 0 : index
      tpu.barrier barrier_id(%barrier3A_34)
      %add3A_35 = arith.constant 0 : i32
      %add3A_36 = arith.addi %add3A_27, %add3A_35 : i32
      %multiple_of3A = tpu.assume_multiple %add3A_36, 8 : i32
      %dma_start3A = tpu.memref_slice %arg3[%multiple_of3A] : memref<6553600xi32, #tpu.memory_space<hbm>> -> memref<5120xi32, #tpu.memory_space<hbm>>
      %dma_start3A_37 = tpu.memref_slice %arg3[%multiple_of3A] : memref<6553600xi32, #tpu.memory_space<hbm>> -> memref<5120xi32, #tpu.memory_space<hbm>>
      tpu.enqueue_dma source(%dma_start3A_37 : memref<5120xi32, #tpu.memory_space<hbm>>) target(%arg10 : memref<5120xi32, #tpu.memory_space<vmem>>) target_semaphore(%arg30 : memref<!tpu.dma_semaphore, #tpu.memory_space<semaphore_mem>>)
      %add3A_38 = arith.constant 5120 : i32
      %add3A_39 = arith.addi %add3A_27, %add3A_38 : i32
      %multiple_of3A_40 = tpu.assume_multiple %add3A_39, 8 : i32
      %dma_start3A_41 = tpu.memref_slice %arg3[%multiple_of3A_40] : memref<6553600xi32, #tpu.memory_space<hbm>> -> memref<5120xi32, #tpu.memory_space<hbm>>
      %dma_start3A_42 = tpu.memref_slice %arg3[%multiple_of3A_40] : memref<6553600xi32, #tpu.memory_space<hbm>> -> memref<5120xi32, #tpu.memory_space<hbm>>
      tpu.enqueue_dma source(%dma_start3A_42 : memref<5120xi32, #tpu.memory_space<hbm>>) target(%arg11 : memref<5120xi32, #tpu.memory_space<vmem>>) target_semaphore(%arg31 : memref<!tpu.dma_semaphore, #tpu.memory_space<semaphore_mem>>)
      %add3A_43 = arith.constant 10240 : i32
      %add3A_44 = arith.addi %add3A_27, %add3A_43 : i32
      %multiple_of3A_45 = tpu.assume_multiple %add3A_44, 8 : i32
      %dma_start3A_46 = tpu.memref_slice %arg3[%multiple_of3A_45] : memref<6553600xi32, #tpu.memory_space<hbm>> -> memref<5120xi32, #tpu.memory_space<hbm>>
      %dma_start3A_47 = tpu.memref_slice %arg3[%multiple_of3A_45] : memref<6553600xi32, #tpu.memory_space<hbm>> -> memref<5120xi32, #tpu.memory_space<hbm>>
      tpu.enqueue_dma source(%dma_start3A_47 : memref<5120xi32, #tpu.memory_space<hbm>>) target(%arg12 : memref<5120xi32, #tpu.memory_space<vmem>>) target_semaphore(%arg32 : memref<!tpu.dma_semaphore, #tpu.memory_space<semaphore_mem>>)
      %scan3A_48 = arith.constant 0 : i32
      %scan3A_49 = arith.constant 0 : i32
      %scan3A_50 = arith.constant 4 : i32
      %scan3A_51 = arith.addi %scan3A_49, %scan3A_50 : i32
      %scan3A_52 = arith.constant 1 : i32
      %scan3A_53 = scf.for %scan3A_165 = %scan3A_49 to %scan3A_51 step %scan3A_52 iter_args(%scan3A_166 = %scan3A_48) -> (i32)  : i32 {
        %mul3A_167 = arith.constant 5 : i32
        %mul3A_168 = arith.muli %scan3A_165, %mul3A_167 : i32
        %add3A_169 = arith.constant 0 : i32
        %add3A_170 = arith.addi %mul3A_168, %add3A_169 : i32
        %dma_wait3A_171 = arith.constant 0 : i32
        %dma_wait3A_172 = tpu.memref_slice %arg3[%dma_wait3A_171] : memref<6553600xi32, #tpu.memory_space<hbm>> -> memref<5120xi32, #tpu.memory_space<hbm>>
        %dma_wait3A_173 = arith.constant 0 : i32
        %dma_wait3A_174 = tpu.memref_slice %arg3[%dma_wait3A_173] : memref<6553600xi32, #tpu.memory_space<hbm>> -> memref<5120xi32, #tpu.memory_space<hbm>>
        tpu.wait_dma2 semaphore(%arg30 : memref<!tpu.dma_semaphore, #tpu.memory_space<semaphore_mem>>) src(%dma_wait3A_174 : memref<5120xi32, #tpu.memory_space<hbm>>) dst(%arg10 : memref<5120xi32, #tpu.memory_space<vmem>>)
        %dma_start3A_175 = arith.constant 0 : i32
        %dma_start3A_176 = tpu.memref_slice %arg6[%dma_start3A_175] : memref<100096xf32, #tpu.memory_space<vmem_shared>> -> memref<100096xf32, #tpu.memory_space<vmem_shared>>
        tpu.enqueue_indirect_dma source(%arg25 : memref<5120xf32, #tpu.memory_space<vmem>>) target(%dma_start3A_176 : memref<100096xf32, #tpu.memory_space<vmem_shared>>) offsets(%arg10 : memref<5120xi32, #tpu.memory_space<vmem>>) semaphore(%arg40 : memref<!tpu.dma_semaphore, #tpu.memory_space<semaphore_mem>>) {add = true}
        %gt3A = arith.constant 0 : i32
        %gt3A_177 = arith.cmpi sgt, %scan3A_165, %gt3A : i32
        %convert_element_type3A = arith.extui %gt3A_177 : i1 to i32
        %cond3A = arith.constant 0 : i32
        %cond3A_178 = arith.cmpi ne, %convert_element_type3A, %cond3A : i32
        scf.if %cond3A_178 {
          %dma_wait3A_267 = arith.constant 0 : i32
          %dma_wait3A_268 = tpu.memref_slice %arg2[%dma_wait3A_267] : memref<400384xf32, #tpu.memory_space<hbm>> -> memref<5120xf32, #tpu.memory_space<hbm>>
          %dma_wait3A_269 = arith.constant 0 : i32
          %dma_wait3A_270 = tpu.memref_slice %arg2[%dma_wait3A_269] : memref<400384xf32, #tpu.memory_space<hbm>> -> memref<5120xf32, #tpu.memory_space<hbm>>
          tpu.wait_dma2 semaphore(%arg43 : memref<!tpu.dma_semaphore, #tpu.memory_space<semaphore_mem>>) src(%dma_wait3A_270 : memref<5120xf32, #tpu.memory_space<hbm>>) dst(%arg23 : memref<5120xf32, #tpu.memory_space<vmem>>)
        } else {
        }
        %add3A_179 = arith.constant 3 : i32
        %add3A_180 = arith.addi %add3A_170, %add3A_179 : i32
        %mul3A_181 = arith.constant 5120 : i32
        %mul3A_182 = arith.muli %add3A_180, %mul3A_181 : i32
        %add3A_183 = arith.addi %add3A_27, %mul3A_182 : i32
        %multiple_of3A_184 = tpu.assume_multiple %add3A_183, 8 : i32
        %dma_start3A_185 = tpu.memref_slice %arg3[%multiple_of3A_184] : memref<6553600xi32, #tpu.memory_space<hbm>> -> memref<5120xi32, #tpu.memory_space<hbm>>
        %dma_start3A_186 = tpu.memref_slice %arg3[%multiple_of3A_184] : memref<6553600xi32, #tpu.memory_space<hbm>> -> memref<5120xi32, #tpu.memory_space<hbm>>
        tpu.enqueue_dma source(%dma_start3A_186 : memref<5120xi32, #tpu.memory_space<hbm>>) target(%arg13 : memref<5120xi32, #tpu.memory_space<vmem>>) target_semaphore(%arg33 : memref<!tpu.dma_semaphore, #tpu.memory_space<semaphore_mem>>)
        %mul3A_187 = arith.constant 5 : i32
        %mul3A_188 = arith.muli %scan3A_165, %mul3A_187 : i32
        %add3A_189 = arith.constant 1 : i32
        %add3A_190 = arith.addi %mul3A_188, %add3A_189 : i32
        %dma_wait3A_191 = arith.constant 0 : i32
        %dma_wait3A_192 = tpu.memref_slice %arg3[%dma_wait3A_191] : memref<6553600xi32, #tpu.memory_space<hbm>> -> memref<5120xi32, #tpu.memory_space<hbm>>
        %dma_wait3A_193 = arith.constant 0 : i32
        %dma_wait3A_194 = tpu.memref_slice %arg3[%dma_wait3A_193] : memref<6553600xi32, #tpu.memory_space<hbm>> -> memref<5120xi32, #tpu.memory_space<hbm>>
        tpu.wait_dma2 semaphore(%arg31 : memref<!tpu.dma_semaphore, #tpu.memory_space<semaphore_mem>>) src(%dma_wait3A_194 : memref<5120xi32, #tpu.memory_space<hbm>>) dst(%arg11 : memref<5120xi32, #tpu.memory_space<vmem>>)
        %dma_start3A_195 = arith.constant 0 : i32
        %dma_start3A_196 = tpu.memref_slice %arg6[%dma_start3A_195] : memref<100096xf32, #tpu.memory_space<vmem_shared>> -> memref<100096xf32, #tpu.memory_space<vmem_shared>>
        tpu.enqueue_indirect_dma source(%arg25 : memref<5120xf32, #tpu.memory_space<vmem>>) target(%dma_start3A_196 : memref<100096xf32, #tpu.memory_space<vmem_shared>>) offsets(%arg11 : memref<5120xi32, #tpu.memory_space<vmem>>) semaphore(%arg41 : memref<!tpu.dma_semaphore, #tpu.memory_space<semaphore_mem>>) {add = true}
        %gt3A_197 = arith.constant 0 : i32
        %gt3A_198 = arith.cmpi sgt, %scan3A_165, %gt3A_197 : i32
        %convert_element_type3A_199 = arith.extui %gt3A_198 : i1 to i32
        %cond3A_200 = arith.constant 0 : i32
        %cond3A_201 = arith.cmpi ne, %convert_element_type3A_199, %cond3A_200 : i32
        scf.if %cond3A_201 {
          %dma_wait3A_267 = arith.constant 0 : i32
          %dma_wait3A_268 = tpu.memref_slice %arg2[%dma_wait3A_267] : memref<400384xf32, #tpu.memory_space<hbm>> -> memref<5120xf32, #tpu.memory_space<hbm>>
          %dma_wait3A_269 = arith.constant 0 : i32
          %dma_wait3A_270 = tpu.memref_slice %arg2[%dma_wait3A_269] : memref<400384xf32, #tpu.memory_space<hbm>> -> memref<5120xf32, #tpu.memory_space<hbm>>
          tpu.wait_dma2 semaphore(%arg44 : memref<!tpu.dma_semaphore, #tpu.memory_space<semaphore_mem>>) src(%dma_wait3A_270 : memref<5120xf32, #tpu.memory_space<hbm>>) dst(%arg24 : memref<5120xf32, #tpu.memory_space<vmem>>)
        } else {
        }
        %add3A_202 = arith.constant 3 : i32
        %add3A_203 = arith.addi %add3A_190, %add3A_202 : i32
        %mul3A_204 = arith.constant 5120 : i32
        %mul3A_205 = arith.muli %add3A_203, %mul3A_204 : i32
        %add3A_206 = arith.addi %add3A_27, %mul3A_205 : i32
        %multiple_of3A_207 = tpu.assume_multiple %add3A_206, 8 : i32
        %dma_start3A_208 = tpu.memref_slice %arg3[%multiple_of3A_207] : memref<6553600xi32, #tpu.memory_space<hbm>> -> memref<5120xi32, #tpu.memory_space<hbm>>
        %dma_start3A_209 = tpu.memref_slice %arg3[%multiple_of3A_207] : memref<6553600xi32, #tpu.memory_space<hbm>> -> memref<5120xi32, #tpu.memory_space<hbm>>
        tpu.enqueue_dma source(%dma_start3A_209 : memref<5120xi32, #tpu.memory_space<hbm>>) target(%arg14 : memref<5120xi32, #tpu.memory_space<vmem>>) target_semaphore(%arg34 : memref<!tpu.dma_semaphore, #tpu.memory_space<semaphore_mem>>)
        %mul3A_210 = arith.constant 5 : i32
        %mul3A_211 = arith.muli %scan3A_165, %mul3A_210 : i32
        %add3A_212 = arith.constant 2 : i32
        %add3A_213 = arith.addi %mul3A_211, %add3A_212 : i32
        %dma_wait3A_214 = arith.constant 0 : i32
        %dma_wait3A_215 = tpu.memref_slice %arg3[%dma_wait3A_214] : memref<6553600xi32, #tpu.memory_space<hbm>> -> memref<5120xi32, #tpu.memory_space<hbm>>
        %dma_wait3A_216 = arith.constant 0 : i32
        %dma_wait3A_217 = tpu.memref_slice %arg3[%dma_wait3A_216] : memref<6553600xi32, #tpu.memory_space<hbm>> -> memref<5120xi32, #tpu.memory_space<hbm>>
        tpu.wait_dma2 semaphore(%arg32 : memref<!tpu.dma_semaphore, #tpu.memory_space<semaphore_mem>>) src(%dma_wait3A_217 : memref<5120xi32, #tpu.memory_space<hbm>>) dst(%arg12 : memref<5120xi32, #tpu.memory_space<vmem>>)
        %dma_start3A_218 = arith.constant 0 : i32
        %dma_start3A_219 = tpu.memref_slice %arg6[%dma_start3A_218] : memref<100096xf32, #tpu.memory_space<vmem_shared>> -> memref<100096xf32, #tpu.memory_space<vmem_shared>>
        tpu.enqueue_indirect_dma source(%arg25 : memref<5120xf32, #tpu.memory_space<vmem>>) target(%dma_start3A_219 : memref<100096xf32, #tpu.memory_space<vmem_shared>>) offsets(%arg12 : memref<5120xi32, #tpu.memory_space<vmem>>) semaphore(%arg42 : memref<!tpu.dma_semaphore, #tpu.memory_space<semaphore_mem>>) {add = true}
        %dma_wait3A_220 = arith.constant 0 : i32
        %dma_wait3A_221 = tpu.memref_slice %arg2[%dma_wait3A_220] : memref<400384xf32, #tpu.memory_space<hbm>> -> memref<5120xf32, #tpu.memory_space<hbm>>
        %dma_wait3A_222 = arith.constant 0 : i32
        %dma_wait3A_223 = tpu.memref_slice %arg2[%dma_wait3A_222] : memref<400384xf32, #tpu.memory_space<hbm>> -> memref<5120xf32, #tpu.memory_space<hbm>>
        tpu.wait_dma2 semaphore(%arg40 : memref<!tpu.dma_semaphore, #tpu.memory_space<semaphore_mem>>) src(%dma_wait3A_223 : memref<5120xf32, #tpu.memory_space<hbm>>) dst(%arg20 : memref<5120xf32, #tpu.memory_space<vmem>>)
        %lt3A = arith.constant 3 : i32
        %lt3A_224 = arith.cmpi slt, %scan3A_165, %lt3A : i32
        %convert_element_type3A_225 = arith.extui %lt3A_224 : i1 to i32
        %cond3A_226 = arith.constant 0 : i32
        %cond3A_227 = arith.cmpi ne, %convert_element_type3A_225, %cond3A_226 : i32
        scf.if %cond3A_227 {
          %add3A_267 = arith.constant 3 : i32
          %add3A_268 = arith.addi %add3A_213, %add3A_267 : i32
          %mul3A_269 = arith.constant 5120 : i32
          %mul3A_270 = arith.muli %add3A_268, %mul3A_269 : i32
          %add3A_271 = arith.addi %add3A_27, %mul3A_270 : i32
          %multiple_of3A_272 = tpu.assume_multiple %add3A_271, 8 : i32
          %dma_start3A_273 = tpu.memref_slice %arg3[%multiple_of3A_272] : memref<6553600xi32, #tpu.memory_space<hbm>> -> memref<5120xi32, #tpu.memory_space<hbm>>
          %dma_start3A_274 = tpu.memref_slice %arg3[%multiple_of3A_272] : memref<6553600xi32, #tpu.memory_space<hbm>> -> memref<5120xi32, #tpu.memory_space<hbm>>
          tpu.enqueue_dma source(%dma_start3A_274 : memref<5120xi32, #tpu.memory_space<hbm>>) target(%arg10 : memref<5120xi32, #tpu.memory_space<vmem>>) target_semaphore(%arg30 : memref<!tpu.dma_semaphore, #tpu.memory_space<semaphore_mem>>)
        } else {
        }
        %mul3A_228 = arith.constant 5 : i32
        %mul3A_229 = arith.muli %scan3A_165, %mul3A_228 : i32
        %add3A_230 = arith.constant 3 : i32
        %add3A_231 = arith.addi %mul3A_229, %add3A_230 : i32
        %dma_wait3A_232 = arith.constant 0 : i32
        %dma_wait3A_233 = tpu.memref_slice %arg3[%dma_wait3A_232] : memref<6553600xi32, #tpu.memory_space<hbm>> -> memref<5120xi32, #tpu.memory_space<hbm>>
        %dma_wait3A_234 = arith.constant 0 : i32
        %dma_wait3A_235 = tpu.memref_slice %arg3[%dma_wait3A_234] : memref<6553600xi32, #tpu.memory_space<hbm>> -> memref<5120xi32, #tpu.memory_space<hbm>>
        tpu.wait_dma2 semaphore(%arg33 : memref<!tpu.dma_semaphore, #tpu.memory_space<semaphore_mem>>) src(%dma_wait3A_235 : memref<5120xi32, #tpu.memory_space<hbm>>) dst(%arg13 : memref<5120xi32, #tpu.memory_space<vmem>>)
        %dma_start3A_236 = arith.constant 0 : i32
        %dma_start3A_237 = tpu.memref_slice %arg6[%dma_start3A_236] : memref<100096xf32, #tpu.memory_space<vmem_shared>> -> memref<100096xf32, #tpu.memory_space<vmem_shared>>
        tpu.enqueue_indirect_dma source(%arg25 : memref<5120xf32, #tpu.memory_space<vmem>>) target(%dma_start3A_237 : memref<100096xf32, #tpu.memory_space<vmem_shared>>) offsets(%arg13 : memref<5120xi32, #tpu.memory_space<vmem>>) semaphore(%arg43 : memref<!tpu.dma_semaphore, #tpu.memory_space<semaphore_mem>>) {add = true}
        %dma_wait3A_238 = arith.constant 0 : i32
        %dma_wait3A_239 = tpu.memref_slice %arg2[%dma_wait3A_238] : memref<400384xf32, #tpu.memory_space<hbm>> -> memref<5120xf32, #tpu.memory_space<hbm>>
        %dma_wait3A_240 = arith.constant 0 : i32
        %dma_wait3A_241 = tpu.memref_slice %arg2[%dma_wait3A_240] : memref<400384xf32, #tpu.memory_space<hbm>> -> memref<5120xf32, #tpu.memory_space<hbm>>
        tpu.wait_dma2 semaphore(%arg41 : memref<!tpu.dma_semaphore, #tpu.memory_space<semaphore_mem>>) src(%dma_wait3A_241 : memref<5120xf32, #tpu.memory_space<hbm>>) dst(%arg21 : memref<5120xf32, #tpu.memory_space<vmem>>)
        %lt3A_242 = arith.constant 3 : i32
        %lt3A_243 = arith.cmpi slt, %scan3A_165, %lt3A_242 : i32
        %convert_element_type3A_244 = arith.extui %lt3A_243 : i1 to i32
        %cond3A_245 = arith.constant 0 : i32
        %cond3A_246 = arith.cmpi ne, %convert_element_type3A_244, %cond3A_245 : i32
        scf.if %cond3A_246 {
          %add3A_267 = arith.constant 3 : i32
          %add3A_268 = arith.addi %add3A_231, %add3A_267 : i32
          %mul3A_269 = arith.constant 5120 : i32
          %mul3A_270 = arith.muli %add3A_268, %mul3A_269 : i32
          %add3A_271 = arith.addi %add3A_27, %mul3A_270 : i32
          %multiple_of3A_272 = tpu.assume_multiple %add3A_271, 8 : i32
          %dma_start3A_273 = tpu.memref_slice %arg3[%multiple_of3A_272] : memref<6553600xi32, #tpu.memory_space<hbm>> -> memref<5120xi32, #tpu.memory_space<hbm>>
          %dma_start3A_274 = tpu.memref_slice %arg3[%multiple_of3A_272] : memref<6553600xi32, #tpu.memory_space<hbm>> -> memref<5120xi32, #tpu.memory_space<hbm>>
          tpu.enqueue_dma source(%dma_start3A_274 : memref<5120xi32, #tpu.memory_space<hbm>>) target(%arg11 : memref<5120xi32, #tpu.memory_space<vmem>>) target_semaphore(%arg31 : memref<!tpu.dma_semaphore, #tpu.memory_space<semaphore_mem>>)
        } else {
        }
        %mul3A_247 = arith.constant 5 : i32
        %mul3A_248 = arith.muli %scan3A_165, %mul3A_247 : i32
        %add3A_249 = arith.constant 4 : i32
        %add3A_250 = arith.addi %mul3A_248, %add3A_249 : i32
        %dma_wait3A_251 = arith.constant 0 : i32
        %dma_wait3A_252 = tpu.memref_slice %arg3[%dma_wait3A_251] : memref<6553600xi32, #tpu.memory_space<hbm>> -> memref<5120xi32, #tpu.memory_space<hbm>>
        %dma_wait3A_253 = arith.constant 0 : i32
        %dma_wait3A_254 = tpu.memref_slice %arg3[%dma_wait3A_253] : memref<6553600xi32, #tpu.memory_space<hbm>> -> memref<5120xi32, #tpu.memory_space<hbm>>
        tpu.wait_dma2 semaphore(%arg34 : memref<!tpu.dma_semaphore, #tpu.memory_space<semaphore_mem>>) src(%dma_wait3A_254 : memref<5120xi32, #tpu.memory_space<hbm>>) dst(%arg14 : memref<5120xi32, #tpu.memory_space<vmem>>)
        %dma_start3A_255 = arith.constant 0 : i32
        %dma_start3A_256 = tpu.memref_slice %arg6[%dma_start3A_255] : memref<100096xf32, #tpu.memory_space<vmem_shared>> -> memref<100096xf32, #tpu.memory_space<vmem_shared>>
        tpu.enqueue_indirect_dma source(%arg25 : memref<5120xf32, #tpu.memory_space<vmem>>) target(%dma_start3A_256 : memref<100096xf32, #tpu.memory_space<vmem_shared>>) offsets(%arg14 : memref<5120xi32, #tpu.memory_space<vmem>>) semaphore(%arg44 : memref<!tpu.dma_semaphore, #tpu.memory_space<semaphore_mem>>) {add = true}
        %dma_wait3A_257 = arith.constant 0 : i32
        %dma_wait3A_258 = tpu.memref_slice %arg2[%dma_wait3A_257] : memref<400384xf32, #tpu.memory_space<hbm>> -> memref<5120xf32, #tpu.memory_space<hbm>>
        %dma_wait3A_259 = arith.constant 0 : i32
        %dma_wait3A_260 = tpu.memref_slice %arg2[%dma_wait3A_259] : memref<400384xf32, #tpu.memory_space<hbm>> -> memref<5120xf32, #tpu.memory_space<hbm>>
        tpu.wait_dma2 semaphore(%arg42 : memref<!tpu.dma_semaphore, #tpu.memory_space<semaphore_mem>>) src(%dma_wait3A_260 : memref<5120xf32, #tpu.memory_space<hbm>>) dst(%arg22 : memref<5120xf32, #tpu.memory_space<vmem>>)
        %lt3A_261 = arith.constant 3 : i32
        %lt3A_262 = arith.cmpi slt, %scan3A_165, %lt3A_261 : i32
        %convert_element_type3A_263 = arith.extui %lt3A_262 : i1 to i32
        %cond3A_264 = arith.constant 0 : i32
        %cond3A_265 = arith.cmpi ne, %convert_element_type3A_263, %cond3A_264 : i32
        scf.if %cond3A_265 {
          %add3A_267 = arith.constant 3 : i32
          %add3A_268 = arith.addi %add3A_250, %add3A_267 : i32
          %mul3A_269 = arith.constant 5120 : i32
          %mul3A_270 = arith.muli %add3A_268, %mul3A_269 : i32
          %add3A_271 = arith.addi %add3A_27, %mul3A_270 : i32
          %multiple_of3A_272 = tpu.assume_multiple %add3A_271, 8 : i32
          %dma_start3A_273 = tpu.memref_slice %arg3[%multiple_of3A_272] : memref<6553600xi32, #tpu.memory_space<hbm>> -> memref<5120xi32, #tpu.memory_space<hbm>>
          %dma_start3A_274 = tpu.memref_slice %arg3[%multiple_of3A_272] : memref<6553600xi32, #tpu.memory_space<hbm>> -> memref<5120xi32, #tpu.memory_space<hbm>>
          tpu.enqueue_dma source(%dma_start3A_274 : memref<5120xi32, #tpu.memory_space<hbm>>) target(%arg12 : memref<5120xi32, #tpu.memory_space<vmem>>) target_semaphore(%arg32 : memref<!tpu.dma_semaphore, #tpu.memory_space<semaphore_mem>>)
        } else {
        }
        %scan3A_266 = arith.constant 0 : i32
        scf.yield %scan3A_266 : i32
      }
      %scan3A_54 = arith.constant 4 : i32
      %dma_wait3A = arith.constant 0 : i32
      %dma_wait3A_55 = tpu.memref_slice %arg2[%dma_wait3A] : memref<400384xf32, #tpu.memory_space<hbm>> -> memref<5120xf32, #tpu.memory_space<hbm>>
      %dma_wait3A_56 = arith.constant 0 : i32
      %dma_wait3A_57 = tpu.memref_slice %arg2[%dma_wait3A_56] : memref<400384xf32, #tpu.memory_space<hbm>> -> memref<5120xf32, #tpu.memory_space<hbm>>
      tpu.wait_dma2 semaphore(%arg43 : memref<!tpu.dma_semaphore, #tpu.memory_space<semaphore_mem>>) src(%dma_wait3A_57 : memref<5120xf32, #tpu.memory_space<hbm>>) dst(%arg23 : memref<5120xf32, #tpu.memory_space<vmem>>)
      %dma_wait3A_58 = arith.constant 0 : i32
      %dma_wait3A_59 = tpu.memref_slice %arg2[%dma_wait3A_58] : memref<400384xf32, #tpu.memory_space<hbm>> -> memref<5120xf32, #tpu.memory_space<hbm>>
      %dma_wait3A_60 = arith.constant 0 : i32
      %dma_wait3A_61 = tpu.memref_slice %arg2[%dma_wait3A_60] : memref<400384xf32, #tpu.memory_space<hbm>> -> memref<5120xf32, #tpu.memory_space<hbm>>
      tpu.wait_dma2 semaphore(%arg44 : memref<!tpu.dma_semaphore, #tpu.memory_space<semaphore_mem>>) src(%dma_wait3A_61 : memref<5120xf32, #tpu.memory_space<hbm>>) dst(%arg24 : memref<5120xf32, #tpu.memory_space<vmem>>)
      %barrier3A_62 = arith.constant 0 : index
      tpu.barrier barrier_id(%barrier3A_62)
      %mul3A_63 = arith.constant 100096 : i32
      %mul3A_64 = arith.muli %add3A, %mul3A_63 : i32
      %mul3A_65 = arith.constant 6256 : i32
      %mul3A_66 = arith.muli %arg1, %mul3A_65 : i32
      %add3A_67 = arith.addi %mul3A_64, %mul3A_66 : i32
      %multiple_of3A_68 = tpu.assume_multiple %add3A_67, 16 : i32
      %mul3A_69 = arith.constant 6256 : i32
      %mul3A_70 = arith.muli %arg1, %mul3A_69 : i32
      "tpu.region"() ({
        %run_scoped3A = tpu.sem_alloc : memref<!tpu.dma_semaphore, #tpu.memory_space<semaphore_mem>>
        %dma_start3A_165 = tpu.memref_slice %arg6[%mul3A_70] : memref<100096xf32, #tpu.memory_space<vmem_shared>> -> memref<6256xf32, #tpu.memory_space<vmem_shared>>
        %dma_start3A_166 = tpu.memref_slice %arg6[%mul3A_70] : memref<100096xf32, #tpu.memory_space<vmem_shared>> -> memref<6256xf32, #tpu.memory_space<vmem_shared>>
        tpu.enqueue_dma source(%dma_start3A_166 : memref<6256xf32, #tpu.memory_space<vmem_shared>>) target(%arg28 : memref<6256xf32, #tpu.memory_space<vmem>>) target_semaphore(%run_scoped3A : memref<!tpu.dma_semaphore, #tpu.memory_space<semaphore_mem>>)
        %dma_wait3A_167 = tpu.memref_slice %arg6[%mul3A_70] : memref<100096xf32, #tpu.memory_space<vmem_shared>> -> memref<6256xf32, #tpu.memory_space<vmem_shared>>
        %dma_wait3A_168 = tpu.memref_slice %arg6[%mul3A_70] : memref<100096xf32, #tpu.memory_space<vmem_shared>> -> memref<6256xf32, #tpu.memory_space<vmem_shared>>
        tpu.wait_dma2 semaphore(%run_scoped3A : memref<!tpu.dma_semaphore, #tpu.memory_space<semaphore_mem>>) src(%dma_wait3A_168 : memref<6256xf32, #tpu.memory_space<vmem_shared>>) dst(%arg28 : memref<6256xf32, #tpu.memory_space<vmem>>)
        tpu.yield
      }) : () -> ()
      "tpu.region"() ({
        %run_scoped3A = tpu.sem_alloc : memref<!tpu.dma_semaphore, #tpu.memory_space<semaphore_mem>>
        %dma_start3A_165 = tpu.memref_slice %arg2[%multiple_of3A_68] : memref<400384xf32, #tpu.memory_space<hbm>> -> memref<6256xf32, #tpu.memory_space<hbm>>
        %dma_start3A_166 = tpu.memref_slice %arg2[%multiple_of3A_68] : memref<400384xf32, #tpu.memory_space<hbm>> -> memref<6256xf32, #tpu.memory_space<hbm>>
        tpu.enqueue_dma source(%dma_start3A_166 : memref<6256xf32, #tpu.memory_space<hbm>>) target(%arg27 : memref<6256xf32, #tpu.memory_space<vmem>>) target_semaphore(%run_scoped3A : memref<!tpu.dma_semaphore, #tpu.memory_space<semaphore_mem>>)
        %dma_wait3A_167 = tpu.memref_slice %arg2[%multiple_of3A_68] : memref<400384xf32, #tpu.memory_space<hbm>> -> memref<6256xf32, #tpu.memory_space<hbm>>
        %dma_wait3A_168 = tpu.memref_slice %arg2[%multiple_of3A_68] : memref<400384xf32, #tpu.memory_space<hbm>> -> memref<6256xf32, #tpu.memory_space<hbm>>
        tpu.wait_dma2 semaphore(%run_scoped3A : memref<!tpu.dma_semaphore, #tpu.memory_space<semaphore_mem>>) src(%dma_wait3A_168 : memref<6256xf32, #tpu.memory_space<hbm>>) dst(%arg27 : memref<6256xf32, #tpu.memory_space<vmem>>)
        tpu.yield
      }) : () -> ()
      %scan3A_71 = arith.constant 0 : i32
      %scan3A_72 = arith.constant 0 : i32
      %scan3A_73 = arith.constant 391 : i32
      %scan3A_74 = arith.addi %scan3A_72, %scan3A_73 : i32
      %scan3A_75 = arith.constant 1 : i32
      %scan3A_76 = scf.for %scan3A_165 = %scan3A_72 to %scan3A_74 step %scan3A_75 iter_args(%scan3A_166 = %scan3A_71) -> (i32)  : i32 {
        %mul3A_167 = arith.constant 16 : i32
        %mul3A_168 = arith.muli %scan3A_165, %mul3A_167 : i32
        %get3A = arith.index_cast %mul3A_168 : i32 to index
        %get3A_169 = tpu.vector_load %arg28[%get3A] {strides = array<i32>} : memref<6256xf32, #tpu.memory_space<vmem>>, vector<16xf32>,
        %get3A_170 = vector.shape_cast %get3A_169 : vector<16xf32> to vector<16xf32>
        %max3A = arith.constant 1.000000e+00 : f32
        %max3A_171 = vector.broadcast %max3A : f32 to vector<16xf32>
        %max3A_172 = arith.maximumf %get3A_170, %max3A_171 : vector<16xf32>
        %bitcast_convert_type3A = tpu.bitcast %max3A_172 : vector<16xf32> -> vector<16xi32>
        %shift_right_arithmetic3A = arith.constant 1 : i32
        %shift_right_arithmetic3A_173 = vector.broadcast %shift_right_arithmetic3A : i32 to vector<16xi32>
        %shift_right_arithmetic3A_174 = arith.shrsi %bitcast_convert_type3A, %shift_right_arithmetic3A_173 : vector<16xi32>
        %sub3A = arith.constant 1597463007 : i32
        %sub3A_175 = vector.broadcast %sub3A : i32 to vector<16xi32>
        %sub3A_176 = arith.subi %sub3A_175, %shift_right_arithmetic3A_174 : vector<16xi32>
        %bitcast_convert_type3A_177 = tpu.bitcast %sub3A_176 : vector<16xi32> -> vector<16xf32>
        %mul3A_178 = arith.constant 5.000000e-01 : f32
        %mul3A_179 = vector.broadcast %mul3A_178 : f32 to vector<16xf32>
        %mul3A_180 = arith.mulf %mul3A_179, %max3A_172 : vector<16xf32>
        %mul3A_181 = arith.mulf %mul3A_180, %bitcast_convert_type3A_177 : vector<16xf32>
        %mul3A_182 = arith.mulf %mul3A_181, %bitcast_convert_type3A_177 : vector<16xf32>
        %sub3A_183 = arith.constant 1.500000e+00 : f32
        %sub3A_184 = vector.broadcast %sub3A_183 : f32 to vector<16xf32>
        %sub3A_185 = arith.subf %sub3A_184, %mul3A_182 : vector<16xf32>
        %mul3A_186 = arith.mulf %bitcast_convert_type3A_177, %sub3A_185 : vector<16xf32>
        %mul3A_187 = arith.constant 5.000000e-01 : f32
        %mul3A_188 = vector.broadcast %mul3A_187 : f32 to vector<16xf32>
        %mul3A_189 = arith.mulf %mul3A_188, %max3A_172 : vector<16xf32>
        %mul3A_190 = arith.mulf %mul3A_189, %mul3A_186 : vector<16xf32>
        %mul3A_191 = arith.mulf %mul3A_190, %mul3A_186 : vector<16xf32>
        %sub3A_192 = arith.constant 1.500000e+00 : f32
        %sub3A_193 = vector.broadcast %sub3A_192 : f32 to vector<16xf32>
        %sub3A_194 = arith.subf %sub3A_193, %mul3A_191 : vector<16xf32>
        %mul3A_195 = arith.mulf %mul3A_186, %sub3A_194 : vector<16xf32>
        %mul3A_196 = arith.constant 5.000000e-01 : f32
        %mul3A_197 = vector.broadcast %mul3A_196 : f32 to vector<16xf32>
        %mul3A_198 = arith.mulf %mul3A_197, %max3A_172 : vector<16xf32>
        %mul3A_199 = arith.mulf %mul3A_198, %mul3A_195 : vector<16xf32>
        %mul3A_200 = arith.mulf %mul3A_199, %mul3A_195 : vector<16xf32>
        %sub3A_201 = arith.constant 1.500000e+00 : f32
        %sub3A_202 = vector.broadcast %sub3A_201 : f32 to vector<16xf32>
        %sub3A_203 = arith.subf %sub3A_202, %mul3A_200 : vector<16xf32>
        %mul3A_204 = arith.mulf %mul3A_195, %sub3A_203 : vector<16xf32>
        %mul3A_205 = arith.constant 16 : i32
        %mul3A_206 = arith.muli %scan3A_165, %mul3A_205 : i32
        %get3A_207 = arith.index_cast %mul3A_206 : i32 to index
        %get3A_208 = tpu.vector_load %arg27[%get3A_207] {strides = array<i32>} : memref<6256xf32, #tpu.memory_space<vmem>>, vector<16xf32>,
        %get3A_209 = vector.shape_cast %get3A_208 : vector<16xf32> to vector<16xf32>
        %eq3A = arith.cmpf oeq, %get3A_209, %get3A_209 : vector<16xf32>
        %jit3A = arith.constant 0.000000e+00 : f32
        %broadcast_in_dim3A = vector.broadcast %jit3A : f32 to vector<16xf32>
        %select_n3A = arith.select %eq3A, %get3A_209, %broadcast_in_dim3A : vector<16xi1>, vector<16xf32>
        %mul3A_210 = arith.mulf %select_n3A, %mul3A_204 : vector<16xf32>
        %mul3A_211 = arith.constant 16 : i32
        %mul3A_212 = arith.muli %scan3A_165, %mul3A_211 : i32
        %swap3A = arith.index_cast %mul3A_212 : i32 to index
        %swap3A_213 = tpu.vector_load %arg29[%swap3A] {strides = array<i32>} : memref<6256xf32, #tpu.memory_space<vmem>>, vector<16xf32>,
        %swap3A_214 = vector.shape_cast %swap3A_213 : vector<16xf32> to vector<16xf32>
        %swap3A_215 = vector.shape_cast %mul3A_210 : vector<16xf32> to vector<16xf32>
        tpu.vector_store %arg29[%swap3A], %swap3A_215 {strides = array<i32>} : memref<6256xf32, #tpu.memory_space<vmem>>, vector<16xf32>,
        %scan3A_216 = arith.constant 0 : i32
        scf.yield %scan3A_216 : i32
      }
      %scan3A_77 = arith.constant 391 : i32
      %mul3A_78 = arith.constant 6256 : i32
      %mul3A_79 = arith.muli %arg1, %mul3A_78 : i32
      "tpu.region"() ({
        %run_scoped3A = tpu.sem_alloc : memref<!tpu.dma_semaphore, #tpu.memory_space<semaphore_mem>>
        %dma_start3A_165 = tpu.memref_slice %arg7[%mul3A_79] : memref<100096xf32, #tpu.memory_space<vmem_shared>> -> memref<6256xf32, #tpu.memory_space<vmem_shared>>
        %dma_start3A_166 = tpu.memref_slice %arg7[%mul3A_79] : memref<100096xf32, #tpu.memory_space<vmem_shared>> -> memref<6256xf32, #tpu.memory_space<vmem_shared>>
        tpu.enqueue_dma source(%arg29 : memref<6256xf32, #tpu.memory_space<vmem>>) target(%dma_start3A_166 : memref<6256xf32, #tpu.memory_space<vmem_shared>>) target_semaphore(%run_scoped3A : memref<!tpu.dma_semaphore, #tpu.memory_space<semaphore_mem>>)
        %dma_wait3A_167 = tpu.memref_slice %arg7[%mul3A_79] : memref<100096xf32, #tpu.memory_space<vmem_shared>> -> memref<6256xf32, #tpu.memory_space<vmem_shared>>
        %dma_wait3A_168 = tpu.memref_slice %arg7[%mul3A_79] : memref<100096xf32, #tpu.memory_space<vmem_shared>> -> memref<6256xf32, #tpu.memory_space<vmem_shared>>
        tpu.wait_dma2 semaphore(%run_scoped3A : memref<!tpu.dma_semaphore, #tpu.memory_space<semaphore_mem>>) src(%arg29 : memref<6256xf32, #tpu.memory_space<vmem>>) dst(%dma_wait3A_168 : memref<6256xf32, #tpu.memory_space<vmem_shared>>)
        tpu.yield
      }) : () -> ()
      %barrier3A_80 = arith.constant 0 : index
      tpu.barrier barrier_id(%barrier3A_80)
      %add3A_81 = arith.constant 0 : i32
      %add3A_82 = arith.addi %add3A_27, %add3A_81 : i32
      %multiple_of3A_83 = tpu.assume_multiple %add3A_82, 8 : i32
      %dma_start3A_84 = tpu.memref_slice %arg3[%multiple_of3A_83] : memref<6553600xi32, #tpu.memory_space<hbm>> -> memref<5120xi32, #tpu.memory_space<hbm>>
      %dma_start3A_85 = tpu.memref_slice %arg3[%multiple_of3A_83] : memref<6553600xi32, #tpu.memory_space<hbm>> -> memref<5120xi32, #tpu.memory_space<hbm>>
      tpu.enqueue_dma source(%dma_start3A_85 : memref<5120xi32, #tpu.memory_space<hbm>>) target(%arg10 : memref<5120xi32, #tpu.memory_space<vmem>>) target_semaphore(%arg30 : memref<!tpu.dma_semaphore, #tpu.memory_space<semaphore_mem>>)
      %dma_start3A_86 = tpu.memref_slice %arg4[%multiple_of3A_83] : memref<6553600xi32, #tpu.memory_space<hbm>> -> memref<5120xi32, #tpu.memory_space<hbm>>
      %dma_start3A_87 = tpu.memref_slice %arg4[%multiple_of3A_83] : memref<6553600xi32, #tpu.memory_space<hbm>> -> memref<5120xi32, #tpu.memory_space<hbm>>
      tpu.enqueue_dma source(%dma_start3A_87 : memref<5120xi32, #tpu.memory_space<hbm>>) target(%arg15 : memref<5120xi32, #tpu.memory_space<vmem>>) target_semaphore(%arg30 : memref<!tpu.dma_semaphore, #tpu.memory_space<semaphore_mem>>)
      %add3A_88 = arith.constant 5120 : i32
      %add3A_89 = arith.addi %add3A_27, %add3A_88 : i32
      %multiple_of3A_90 = tpu.assume_multiple %add3A_89, 8 : i32
      %dma_start3A_91 = tpu.memref_slice %arg3[%multiple_of3A_90] : memref<6553600xi32, #tpu.memory_space<hbm>> -> memref<5120xi32, #tpu.memory_space<hbm>>
      %dma_start3A_92 = tpu.memref_slice %arg3[%multiple_of3A_90] : memref<6553600xi32, #tpu.memory_space<hbm>> -> memref<5120xi32, #tpu.memory_space<hbm>>
      tpu.enqueue_dma source(%dma_start3A_92 : memref<5120xi32, #tpu.memory_space<hbm>>) target(%arg11 : memref<5120xi32, #tpu.memory_space<vmem>>) target_semaphore(%arg31 : memref<!tpu.dma_semaphore, #tpu.memory_space<semaphore_mem>>)
      %dma_start3A_93 = tpu.memref_slice %arg4[%multiple_of3A_90] : memref<6553600xi32, #tpu.memory_space<hbm>> -> memref<5120xi32, #tpu.memory_space<hbm>>
      %dma_start3A_94 = tpu.memref_slice %arg4[%multiple_of3A_90] : memref<6553600xi32, #tpu.memory_space<hbm>> -> memref<5120xi32, #tpu.memory_space<hbm>>
      tpu.enqueue_dma source(%dma_start3A_94 : memref<5120xi32, #tpu.memory_space<hbm>>) target(%arg16 : memref<5120xi32, #tpu.memory_space<vmem>>) target_semaphore(%arg31 : memref<!tpu.dma_semaphore, #tpu.memory_space<semaphore_mem>>)
      %add3A_95 = arith.constant 10240 : i32
      %add3A_96 = arith.addi %add3A_27, %add3A_95 : i32
      %multiple_of3A_97 = tpu.assume_multiple %add3A_96, 8 : i32
      %dma_start3A_98 = tpu.memref_slice %arg3[%multiple_of3A_97] : memref<6553600xi32, #tpu.memory_space<hbm>> -> memref<5120xi32, #tpu.memory_space<hbm>>
      %dma_start3A_99 = tpu.memref_slice %arg3[%multiple_of3A_97] : memref<6553600xi32, #tpu.memory_space<hbm>> -> memref<5120xi32, #tpu.memory_space<hbm>>
      tpu.enqueue_dma source(%dma_start3A_99 : memref<5120xi32, #tpu.memory_space<hbm>>) target(%arg12 : memref<5120xi32, #tpu.memory_space<vmem>>) target_semaphore(%arg32 : memref<!tpu.dma_semaphore, #tpu.memory_space<semaphore_mem>>)
      %dma_start3A_100 = tpu.memref_slice %arg4[%multiple_of3A_97] : memref<6553600xi32, #tpu.memory_space<hbm>> -> memref<5120xi32, #tpu.memory_space<hbm>>
      %dma_start3A_101 = tpu.memref_slice %arg4[%multiple_of3A_97] : memref<6553600xi32, #tpu.memory_space<hbm>> -> memref<5120xi32, #tpu.memory_space<hbm>>
      tpu.enqueue_dma source(%dma_start3A_101 : memref<5120xi32, #tpu.memory_space<hbm>>) target(%arg17 : memref<5120xi32, #tpu.memory_space<vmem>>) target_semaphore(%arg32 : memref<!tpu.dma_semaphore, #tpu.memory_space<semaphore_mem>>)
      %dma_wait3A_102 = arith.constant 0 : i32
      %dma_wait3A_103 = tpu.memref_slice %arg3[%dma_wait3A_102] : memref<6553600xi32, #tpu.memory_space<hbm>> -> memref<5120xi32, #tpu.memory_space<hbm>>
      %dma_wait3A_104 = arith.constant 0 : i32
      %dma_wait3A_105 = tpu.memref_slice %arg3[%dma_wait3A_104] : memref<6553600xi32, #tpu.memory_space<hbm>> -> memref<5120xi32, #tpu.memory_space<hbm>>
      tpu.wait_dma2 semaphore(%arg30 : memref<!tpu.dma_semaphore, #tpu.memory_space<semaphore_mem>>) src(%dma_wait3A_105 : memref<5120xi32, #tpu.memory_space<hbm>>) dst(%arg10 : memref<5120xi32, #tpu.memory_space<vmem>>)
      %dma_wait3A_106 = arith.constant 0 : i32
      %dma_wait3A_107 = tpu.memref_slice %arg3[%dma_wait3A_106] : memref<6553600xi32, #tpu.memory_space<hbm>> -> memref<5120xi32, #tpu.memory_space<hbm>>
      %dma_wait3A_108 = arith.constant 0 : i32
      %dma_wait3A_109 = tpu.memref_slice %arg3[%dma_wait3A_108] : memref<6553600xi32, #tpu.memory_space<hbm>> -> memref<5120xi32, #tpu.memory_space<hbm>>
      tpu.wait_dma2 semaphore(%arg30 : memref<!tpu.dma_semaphore, #tpu.memory_space<semaphore_mem>>) src(%dma_wait3A_109 : memref<5120xi32, #tpu.memory_space<hbm>>) dst(%arg15 : memref<5120xi32, #tpu.memory_space<vmem>>)
      %dma_start3A_110 = arith.constant 0 : i32
      %dma_start3A_111 = tpu.memref_slice %arg7[%dma_start3A_110] : memref<100096xf32, #tpu.memory_space<vmem_shared>> -> memref<100096xf32, #tpu.memory_space<vmem_shared>>
      tpu.enqueue_indirect_dma source(%dma_start3A_111 : memref<100096xf32, #tpu.memory_space<vmem_shared>>) target(%arg20 : memref<5120xf32, #tpu.memory_space<vmem>>) offsets(%arg10 : memref<5120xi32, #tpu.memory_space<vmem>>) semaphore(%arg35 : memref<!tpu.dma_semaphore, #tpu.memory_space<semaphore_mem>>)
      %dma_wait3A_112 = arith.constant 0 : i32
      %dma_wait3A_113 = tpu.memref_slice %arg3[%dma_wait3A_112] : memref<6553600xi32, #tpu.memory_space<hbm>> -> memref<5120xi32, #tpu.memory_space<hbm>>
      %dma_wait3A_114 = arith.constant 0 : i32
      %dma_wait3A_115 = tpu.memref_slice %arg3[%dma_wait3A_114] : memref<6553600xi32, #tpu.memory_space<hbm>> -> memref<5120xi32, #tpu.memory_space<hbm>>
      tpu.wait_dma2 semaphore(%arg31 : memref<!tpu.dma_semaphore, #tpu.memory_space<semaphore_mem>>) src(%dma_wait3A_115 : memref<5120xi32, #tpu.memory_space<hbm>>) dst(%arg11 : memref<5120xi32, #tpu.memory_space<vmem>>)
      %dma_wait3A_116 = arith.constant 0 : i32
      %dma_wait3A_117 = tpu.memref_slice %arg3[%dma_wait3A_116] : memref<6553600xi32, #tpu.memory_space<hbm>> -> memref<5120xi32, #tpu.memory_space<hbm>>
      %dma_wait3A_118 = arith.constant 0 : i32
      %dma_wait3A_119 = tpu.memref_slice %arg3[%dma_wait3A_118] : memref<6553600xi32, #tpu.memory_space<hbm>> -> memref<5120xi32, #tpu.memory_space<hbm>>
      tpu.wait_dma2 semaphore(%arg31 : memref<!tpu.dma_semaphore, #tpu.memory_space<semaphore_mem>>) src(%dma_wait3A_119 : memref<5120xi32, #tpu.memory_space<hbm>>) dst(%arg16 : memref<5120xi32, #tpu.memory_space<vmem>>)
      %dma_start3A_120 = arith.constant 0 : i32
      %dma_start3A_121 = tpu.memref_slice %arg7[%dma_start3A_120] : memref<100096xf32, #tpu.memory_space<vmem_shared>> -> memref<100096xf32, #tpu.memory_space<vmem_shared>>
      tpu.enqueue_indirect_dma source(%dma_start3A_121 : memref<100096xf32, #tpu.memory_space<vmem_shared>>) target(%arg21 : memref<5120xf32, #tpu.memory_space<vmem>>) offsets(%arg11 : memref<5120xi32, #tpu.memory_space<vmem>>) semaphore(%arg36 : memref<!tpu.dma_semaphore, #tpu.memory_space<semaphore_mem>>)
      %scan3A_122 = arith.constant 0 : i32
      %scan3A_123 = arith.constant 0 : i32
      %scan3A_124 = arith.constant 4 : i32
      %scan3A_125 = arith.addi %scan3A_123, %scan3A_124 : i32
      %scan3A_126 = arith.constant 1 : i32
      %scan3A_127 = scf.for %scan3A_165 = %scan3A_123 to %scan3A_125 step %scan3A_126 iter_args(%scan3A_166 = %scan3A_122) -> (i32)  : i32 {
        %mul3A_167 = arith.constant 5 : i32
        %mul3A_168 = arith.muli %scan3A_165, %mul3A_167 : i32
        %add3A_169 = arith.constant 0 : i32
        %add3A_170 = arith.addi %mul3A_168, %add3A_169 : i32
        %dma_wait3A_171 = arith.constant 0 : i32
        %dma_wait3A_172 = tpu.memref_slice %arg2[%dma_wait3A_171] : memref<400384xf32, #tpu.memory_space<hbm>> -> memref<5120xf32, #tpu.memory_space<hbm>>
        %dma_wait3A_173 = arith.constant 0 : i32
        %dma_wait3A_174 = tpu.memref_slice %arg2[%dma_wait3A_173] : memref<400384xf32, #tpu.memory_space<hbm>> -> memref<5120xf32, #tpu.memory_space<hbm>>
        tpu.wait_dma2 semaphore(%arg35 : memref<!tpu.dma_semaphore, #tpu.memory_space<semaphore_mem>>) src(%dma_wait3A_174 : memref<5120xf32, #tpu.memory_space<hbm>>) dst(%arg20 : memref<5120xf32, #tpu.memory_space<vmem>>)
        %dma_start3A_175 = arith.constant 0 : i32
        %dma_start3A_176 = tpu.memref_slice %arg8[%dma_start3A_175] : memref<12416xf32, #tpu.memory_space<vmem_shared>> -> memref<12416xf32, #tpu.memory_space<vmem_shared>>
        tpu.enqueue_indirect_dma source(%arg20 : memref<5120xf32, #tpu.memory_space<vmem>>) target(%dma_start3A_176 : memref<12416xf32, #tpu.memory_space<vmem_shared>>) offsets(%arg15 : memref<5120xi32, #tpu.memory_space<vmem>>) semaphore(%arg40 : memref<!tpu.dma_semaphore, #tpu.memory_space<semaphore_mem>>) {add = true}
        %dma_start3A_177 = arith.constant 0 : i32
        %dma_start3A_178 = tpu.memref_slice %arg9[%dma_start3A_177] : memref<12416xf32, #tpu.memory_space<vmem_shared>> -> memref<12416xf32, #tpu.memory_space<vmem_shared>>
        tpu.enqueue_indirect_dma source(%arg25 : memref<5120xf32, #tpu.memory_space<vmem>>) target(%dma_start3A_178 : memref<12416xf32, #tpu.memory_space<vmem_shared>>) offsets(%arg15 : memref<5120xi32, #tpu.memory_space<vmem>>) semaphore(%arg40 : memref<!tpu.dma_semaphore, #tpu.memory_space<semaphore_mem>>) {add = true}
        %gt3A = arith.constant 0 : i32
        %gt3A_179 = arith.cmpi sgt, %scan3A_165, %gt3A : i32
        %convert_element_type3A = arith.extui %gt3A_179 : i1 to i32
        %cond3A = arith.constant 0 : i32
        %cond3A_180 = arith.cmpi ne, %convert_element_type3A, %cond3A : i32
        scf.if %cond3A_180 {
          %dma_wait3A_333 = arith.constant 0 : i32
          %dma_wait3A_334 = tpu.memref_slice %arg2[%dma_wait3A_333] : memref<400384xf32, #tpu.memory_space<hbm>> -> memref<5120xf32, #tpu.memory_space<hbm>>
          %dma_wait3A_335 = arith.constant 0 : i32
          %dma_wait3A_336 = tpu.memref_slice %arg2[%dma_wait3A_335] : memref<400384xf32, #tpu.memory_space<hbm>> -> memref<5120xf32, #tpu.memory_space<hbm>>
          tpu.wait_dma2 semaphore(%arg43 : memref<!tpu.dma_semaphore, #tpu.memory_space<semaphore_mem>>) src(%dma_wait3A_336 : memref<5120xf32, #tpu.memory_space<hbm>>) dst(%arg23 : memref<5120xf32, #tpu.memory_space<vmem>>)
          %dma_wait3A_337 = arith.constant 0 : i32
          %dma_wait3A_338 = tpu.memref_slice %arg2[%dma_wait3A_337] : memref<400384xf32, #tpu.memory_space<hbm>> -> memref<5120xf32, #tpu.memory_space<hbm>>
          %dma_wait3A_339 = arith.constant 0 : i32
          %dma_wait3A_340 = tpu.memref_slice %arg2[%dma_wait3A_339] : memref<400384xf32, #tpu.memory_space<hbm>> -> memref<5120xf32, #tpu.memory_space<hbm>>
          tpu.wait_dma2 semaphore(%arg43 : memref<!tpu.dma_semaphore, #tpu.memory_space<semaphore_mem>>) src(%dma_wait3A_340 : memref<5120xf32, #tpu.memory_space<hbm>>) dst(%arg23 : memref<5120xf32, #tpu.memory_space<vmem>>)
        } else {
        }
        %dma_wait3A_181 = arith.constant 0 : i32
        %dma_wait3A_182 = tpu.memref_slice %arg3[%dma_wait3A_181] : memref<6553600xi32, #tpu.memory_space<hbm>> -> memref<5120xi32, #tpu.memory_space<hbm>>
        %dma_wait3A_183 = arith.constant 0 : i32
        %dma_wait3A_184 = tpu.memref_slice %arg3[%dma_wait3A_183] : memref<6553600xi32, #tpu.memory_space<hbm>> -> memref<5120xi32, #tpu.memory_space<hbm>>
        tpu.wait_dma2 semaphore(%arg32 : memref<!tpu.dma_semaphore, #tpu.memory_space<semaphore_mem>>) src(%dma_wait3A_184 : memref<5120xi32, #tpu.memory_space<hbm>>) dst(%arg12 : memref<5120xi32, #tpu.memory_space<vmem>>)
        %dma_wait3A_185 = arith.constant 0 : i32
        %dma_wait3A_186 = tpu.memref_slice %arg3[%dma_wait3A_185] : memref<6553600xi32, #tpu.memory_space<hbm>> -> memref<5120xi32, #tpu.memory_space<hbm>>
        %dma_wait3A_187 = arith.constant 0 : i32
        %dma_wait3A_188 = tpu.memref_slice %arg3[%dma_wait3A_187] : memref<6553600xi32, #tpu.memory_space<hbm>> -> memref<5120xi32, #tpu.memory_space<hbm>>
        tpu.wait_dma2 semaphore(%arg32 : memref<!tpu.dma_semaphore, #tpu.memory_space<semaphore_mem>>) src(%dma_wait3A_188 : memref<5120xi32, #tpu.memory_space<hbm>>) dst(%arg17 : memref<5120xi32, #tpu.memory_space<vmem>>)
        %dma_start3A_189 = arith.constant 0 : i32
        %dma_start3A_190 = tpu.memref_slice %arg7[%dma_start3A_189] : memref<100096xf32, #tpu.memory_space<vmem_shared>> -> memref<100096xf32, #tpu.memory_space<vmem_shared>>
        tpu.enqueue_indirect_dma source(%dma_start3A_190 : memref<100096xf32, #tpu.memory_space<vmem_shared>>) target(%arg22 : memref<5120xf32, #tpu.memory_space<vmem>>) offsets(%arg12 : memref<5120xi32, #tpu.memory_space<vmem>>) semaphore(%arg37 : memref<!tpu.dma_semaphore, #tpu.memory_space<semaphore_mem>>)
        %add3A_191 = arith.constant 3 : i32
        %add3A_192 = arith.addi %add3A_170, %add3A_191 : i32
        %mul3A_193 = arith.constant 5120 : i32
        %mul3A_194 = arith.muli %add3A_192, %mul3A_193 : i32
        %add3A_195 = arith.addi %add3A_27, %mul3A_194 : i32
        %multiple_of3A_196 = tpu.assume_multiple %add3A_195, 8 : i32
        %dma_start3A_197 = tpu.memref_slice %arg3[%multiple_of3A_196] : memref<6553600xi32, #tpu.memory_space<hbm>> -> memref<5120xi32, #tpu.memory_space<hbm>>
        %dma_start3A_198 = tpu.memref_slice %arg3[%multiple_of3A_196] : memref<6553600xi32, #tpu.memory_space<hbm>> -> memref<5120xi32, #tpu.memory_space<hbm>>
        tpu.enqueue_dma source(%dma_start3A_198 : memref<5120xi32, #tpu.memory_space<hbm>>) target(%arg13 : memref<5120xi32, #tpu.memory_space<vmem>>) target_semaphore(%arg33 : memref<!tpu.dma_semaphore, #tpu.memory_space<semaphore_mem>>)
        %dma_start3A_199 = tpu.memref_slice %arg4[%multiple_of3A_196] : memref<6553600xi32, #tpu.memory_space<hbm>> -> memref<5120xi32, #tpu.memory_space<hbm>>
        %dma_start3A_200 = tpu.memref_slice %arg4[%multiple_of3A_196] : memref<6553600xi32, #tpu.memory_space<hbm>> -> memref<5120xi32, #tpu.memory_space<hbm>>
        tpu.enqueue_dma source(%dma_start3A_200 : memref<5120xi32, #tpu.memory_space<hbm>>) target(%arg18 : memref<5120xi32, #tpu.memory_space<vmem>>) target_semaphore(%arg33 : memref<!tpu.dma_semaphore, #tpu.memory_space<semaphore_mem>>)
        %mul3A_201 = arith.constant 5 : i32
        %mul3A_202 = arith.muli %scan3A_165, %mul3A_201 : i32
        %add3A_203 = arith.constant 1 : i32
        %add3A_204 = arith.addi %mul3A_202, %add3A_203 : i32
        %dma_wait3A_205 = arith.constant 0 : i32
        %dma_wait3A_206 = tpu.memref_slice %arg2[%dma_wait3A_205] : memref<400384xf32, #tpu.memory_space<hbm>> -> memref<5120xf32, #tpu.memory_space<hbm>>
        %dma_wait3A_207 = arith.constant 0 : i32
        %dma_wait3A_208 = tpu.memref_slice %arg2[%dma_wait3A_207] : memref<400384xf32, #tpu.memory_space<hbm>> -> memref<5120xf32, #tpu.memory_space<hbm>>
        tpu.wait_dma2 semaphore(%arg36 : memref<!tpu.dma_semaphore, #tpu.memory_space<semaphore_mem>>) src(%dma_wait3A_208 : memref<5120xf32, #tpu.memory_space<hbm>>) dst(%arg21 : memref<5120xf32, #tpu.memory_space<vmem>>)
        %dma_start3A_209 = arith.constant 0 : i32
        %dma_start3A_210 = tpu.memref_slice %arg8[%dma_start3A_209] : memref<12416xf32, #tpu.memory_space<vmem_shared>> -> memref<12416xf32, #tpu.memory_space<vmem_shared>>
        tpu.enqueue_indirect_dma source(%arg21 : memref<5120xf32, #tpu.memory_space<vmem>>) target(%dma_start3A_210 : memref<12416xf32, #tpu.memory_space<vmem_shared>>) offsets(%arg16 : memref<5120xi32, #tpu.memory_space<vmem>>) semaphore(%arg41 : memref<!tpu.dma_semaphore, #tpu.memory_space<semaphore_mem>>) {add = true}
        %dma_start3A_211 = arith.constant 0 : i32
        %dma_start3A_212 = tpu.memref_slice %arg9[%dma_start3A_211] : memref<12416xf32, #tpu.memory_space<vmem_shared>> -> memref<12416xf32, #tpu.memory_space<vmem_shared>>
        tpu.enqueue_indirect_dma source(%arg25 : memref<5120xf32, #tpu.memory_space<vmem>>) target(%dma_start3A_212 : memref<12416xf32, #tpu.memory_space<vmem_shared>>) offsets(%arg16 : memref<5120xi32, #tpu.memory_space<vmem>>) semaphore(%arg41 : memref<!tpu.dma_semaphore, #tpu.memory_space<semaphore_mem>>) {add = true}
        %gt3A_213 = arith.constant 0 : i32
        %gt3A_214 = arith.cmpi sgt, %scan3A_165, %gt3A_213 : i32
        %convert_element_type3A_215 = arith.extui %gt3A_214 : i1 to i32
        %cond3A_216 = arith.constant 0 : i32
        %cond3A_217 = arith.cmpi ne, %convert_element_type3A_215, %cond3A_216 : i32
        scf.if %cond3A_217 {
          %dma_wait3A_333 = arith.constant 0 : i32
          %dma_wait3A_334 = tpu.memref_slice %arg2[%dma_wait3A_333] : memref<400384xf32, #tpu.memory_space<hbm>> -> memref<5120xf32, #tpu.memory_space<hbm>>
          %dma_wait3A_335 = arith.constant 0 : i32
          %dma_wait3A_336 = tpu.memref_slice %arg2[%dma_wait3A_335] : memref<400384xf32, #tpu.memory_space<hbm>> -> memref<5120xf32, #tpu.memory_space<hbm>>
          tpu.wait_dma2 semaphore(%arg44 : memref<!tpu.dma_semaphore, #tpu.memory_space<semaphore_mem>>) src(%dma_wait3A_336 : memref<5120xf32, #tpu.memory_space<hbm>>) dst(%arg24 : memref<5120xf32, #tpu.memory_space<vmem>>)
          %dma_wait3A_337 = arith.constant 0 : i32
          %dma_wait3A_338 = tpu.memref_slice %arg2[%dma_wait3A_337] : memref<400384xf32, #tpu.memory_space<hbm>> -> memref<5120xf32, #tpu.memory_space<hbm>>
          %dma_wait3A_339 = arith.constant 0 : i32
          %dma_wait3A_340 = tpu.memref_slice %arg2[%dma_wait3A_339] : memref<400384xf32, #tpu.memory_space<hbm>> -> memref<5120xf32, #tpu.memory_space<hbm>>
          tpu.wait_dma2 semaphore(%arg44 : memref<!tpu.dma_semaphore, #tpu.memory_space<semaphore_mem>>) src(%dma_wait3A_340 : memref<5120xf32, #tpu.memory_space<hbm>>) dst(%arg24 : memref<5120xf32, #tpu.memory_space<vmem>>)
        } else {
        }
        %dma_wait3A_218 = arith.constant 0 : i32
        %dma_wait3A_219 = tpu.memref_slice %arg3[%dma_wait3A_218] : memref<6553600xi32, #tpu.memory_space<hbm>> -> memref<5120xi32, #tpu.memory_space<hbm>>
        %dma_wait3A_220 = arith.constant 0 : i32
        %dma_wait3A_221 = tpu.memref_slice %arg3[%dma_wait3A_220] : memref<6553600xi32, #tpu.memory_space<hbm>> -> memref<5120xi32, #tpu.memory_space<hbm>>
        tpu.wait_dma2 semaphore(%arg33 : memref<!tpu.dma_semaphore, #tpu.memory_space<semaphore_mem>>) src(%dma_wait3A_221 : memref<5120xi32, #tpu.memory_space<hbm>>) dst(%arg13 : memref<5120xi32, #tpu.memory_space<vmem>>)
        %dma_wait3A_222 = arith.constant 0 : i32
        %dma_wait3A_223 = tpu.memref_slice %arg3[%dma_wait3A_222] : memref<6553600xi32, #tpu.memory_space<hbm>> -> memref<5120xi32, #tpu.memory_space<hbm>>
        %dma_wait3A_224 = arith.constant 0 : i32
        %dma_wait3A_225 = tpu.memref_slice %arg3[%dma_wait3A_224] : memref<6553600xi32, #tpu.memory_space<hbm>> -> memref<5120xi32, #tpu.memory_space<hbm>>
        tpu.wait_dma2 semaphore(%arg33 : memref<!tpu.dma_semaphore, #tpu.memory_space<semaphore_mem>>) src(%dma_wait3A_225 : memref<5120xi32, #tpu.memory_space<hbm>>) dst(%arg18 : memref<5120xi32, #tpu.memory_space<vmem>>)
        %dma_start3A_226 = arith.constant 0 : i32
        %dma_start3A_227 = tpu.memref_slice %arg7[%dma_start3A_226] : memref<100096xf32, #tpu.memory_space<vmem_shared>> -> memref<100096xf32, #tpu.memory_space<vmem_shared>>
        tpu.enqueue_indirect_dma source(%dma_start3A_227 : memref<100096xf32, #tpu.memory_space<vmem_shared>>) target(%arg23 : memref<5120xf32, #tpu.memory_space<vmem>>) offsets(%arg13 : memref<5120xi32, #tpu.memory_space<vmem>>) semaphore(%arg38 : memref<!tpu.dma_semaphore, #tpu.memory_space<semaphore_mem>>)
        %add3A_228 = arith.constant 3 : i32
        %add3A_229 = arith.addi %add3A_204, %add3A_228 : i32
        %mul3A_230 = arith.constant 5120 : i32
        %mul3A_231 = arith.muli %add3A_229, %mul3A_230 : i32
        %add3A_232 = arith.addi %add3A_27, %mul3A_231 : i32
        %multiple_of3A_233 = tpu.assume_multiple %add3A_232, 8 : i32
        %dma_start3A_234 = tpu.memref_slice %arg3[%multiple_of3A_233] : memref<6553600xi32, #tpu.memory_space<hbm>> -> memref<5120xi32, #tpu.memory_space<hbm>>
        %dma_start3A_235 = tpu.memref_slice %arg3[%multiple_of3A_233] : memref<6553600xi32, #tpu.memory_space<hbm>> -> memref<5120xi32, #tpu.memory_space<hbm>>
        tpu.enqueue_dma source(%dma_start3A_235 : memref<5120xi32, #tpu.memory_space<hbm>>) target(%arg14 : memref<5120xi32, #tpu.memory_space<vmem>>) target_semaphore(%arg34 : memref<!tpu.dma_semaphore, #tpu.memory_space<semaphore_mem>>)
        %dma_start3A_236 = tpu.memref_slice %arg4[%multiple_of3A_233] : memref<6553600xi32, #tpu.memory_space<hbm>> -> memref<5120xi32, #tpu.memory_space<hbm>>
        %dma_start3A_237 = tpu.memref_slice %arg4[%multiple_of3A_233] : memref<6553600xi32, #tpu.memory_space<hbm>> -> memref<5120xi32, #tpu.memory_space<hbm>>
        tpu.enqueue_dma source(%dma_start3A_237 : memref<5120xi32, #tpu.memory_space<hbm>>) target(%arg19 : memref<5120xi32, #tpu.memory_space<vmem>>) target_semaphore(%arg34 : memref<!tpu.dma_semaphore, #tpu.memory_space<semaphore_mem>>)
        %mul3A_238 = arith.constant 5 : i32
        %mul3A_239 = arith.muli %scan3A_165, %mul3A_238 : i32
        %add3A_240 = arith.constant 2 : i32
        %add3A_241 = arith.addi %mul3A_239, %add3A_240 : i32
        %dma_wait3A_242 = arith.constant 0 : i32
        %dma_wait3A_243 = tpu.memref_slice %arg2[%dma_wait3A_242] : memref<400384xf32, #tpu.memory_space<hbm>> -> memref<5120xf32, #tpu.memory_space<hbm>>
        %dma_wait3A_244 = arith.constant 0 : i32
        %dma_wait3A_245 = tpu.memref_slice %arg2[%dma_wait3A_244] : memref<400384xf32, #tpu.memory_space<hbm>> -> memref<5120xf32, #tpu.memory_space<hbm>>
        tpu.wait_dma2 semaphore(%arg37 : memref<!tpu.dma_semaphore, #tpu.memory_space<semaphore_mem>>) src(%dma_wait3A_245 : memref<5120xf32, #tpu.memory_space<hbm>>) dst(%arg22 : memref<5120xf32, #tpu.memory_space<vmem>>)
        %dma_start3A_246 = arith.constant 0 : i32
        %dma_start3A_247 = tpu.memref_slice %arg8[%dma_start3A_246] : memref<12416xf32, #tpu.memory_space<vmem_shared>> -> memref<12416xf32, #tpu.memory_space<vmem_shared>>
        tpu.enqueue_indirect_dma source(%arg22 : memref<5120xf32, #tpu.memory_space<vmem>>) target(%dma_start3A_247 : memref<12416xf32, #tpu.memory_space<vmem_shared>>) offsets(%arg17 : memref<5120xi32, #tpu.memory_space<vmem>>) semaphore(%arg42 : memref<!tpu.dma_semaphore, #tpu.memory_space<semaphore_mem>>) {add = true}
        %dma_start3A_248 = arith.constant 0 : i32
        %dma_start3A_249 = tpu.memref_slice %arg9[%dma_start3A_248] : memref<12416xf32, #tpu.memory_space<vmem_shared>> -> memref<12416xf32, #tpu.memory_space<vmem_shared>>
        tpu.enqueue_indirect_dma source(%arg25 : memref<5120xf32, #tpu.memory_space<vmem>>) target(%dma_start3A_249 : memref<12416xf32, #tpu.memory_space<vmem_shared>>) offsets(%arg17 : memref<5120xi32, #tpu.memory_space<vmem>>) semaphore(%arg42 : memref<!tpu.dma_semaphore, #tpu.memory_space<semaphore_mem>>) {add = true}
        %dma_wait3A_250 = arith.constant 0 : i32
        %dma_wait3A_251 = tpu.memref_slice %arg2[%dma_wait3A_250] : memref<400384xf32, #tpu.memory_space<hbm>> -> memref<5120xf32, #tpu.memory_space<hbm>>
        %dma_wait3A_252 = arith.constant 0 : i32
        %dma_wait3A_253 = tpu.memref_slice %arg2[%dma_wait3A_252] : memref<400384xf32, #tpu.memory_space<hbm>> -> memref<5120xf32, #tpu.memory_space<hbm>>
        tpu.wait_dma2 semaphore(%arg40 : memref<!tpu.dma_semaphore, #tpu.memory_space<semaphore_mem>>) src(%dma_wait3A_253 : memref<5120xf32, #tpu.memory_space<hbm>>) dst(%arg20 : memref<5120xf32, #tpu.memory_space<vmem>>)
        %dma_wait3A_254 = arith.constant 0 : i32
        %dma_wait3A_255 = tpu.memref_slice %arg2[%dma_wait3A_254] : memref<400384xf32, #tpu.memory_space<hbm>> -> memref<5120xf32, #tpu.memory_space<hbm>>
        %dma_wait3A_256 = arith.constant 0 : i32
        %dma_wait3A_257 = tpu.memref_slice %arg2[%dma_wait3A_256] : memref<400384xf32, #tpu.memory_space<hbm>> -> memref<5120xf32, #tpu.memory_space<hbm>>
        tpu.wait_dma2 semaphore(%arg40 : memref<!tpu.dma_semaphore, #tpu.memory_space<semaphore_mem>>) src(%dma_wait3A_257 : memref<5120xf32, #tpu.memory_space<hbm>>) dst(%arg20 : memref<5120xf32, #tpu.memory_space<vmem>>)
        %dma_wait3A_258 = arith.constant 0 : i32
        %dma_wait3A_259 = tpu.memref_slice %arg3[%dma_wait3A_258] : memref<6553600xi32, #tpu.memory_space<hbm>> -> memref<5120xi32, #tpu.memory_space<hbm>>
        %dma_wait3A_260 = arith.constant 0 : i32
        %dma_wait3A_261 = tpu.memref_slice %arg3[%dma_wait3A_260] : memref<6553600xi32, #tpu.memory_space<hbm>> -> memref<5120xi32, #tpu.memory_space<hbm>>
        tpu.wait_dma2 semaphore(%arg34 : memref<!tpu.dma_semaphore, #tpu.memory_space<semaphore_mem>>) src(%dma_wait3A_261 : memref<5120xi32, #tpu.memory_space<hbm>>) dst(%arg14 : memref<5120xi32, #tpu.memory_space<vmem>>)
        %dma_wait3A_262 = arith.constant 0 : i32
        %dma_wait3A_263 = tpu.memref_slice %arg3[%dma_wait3A_262] : memref<6553600xi32, #tpu.memory_space<hbm>> -> memref<5120xi32, #tpu.memory_space<hbm>>
        %dma_wait3A_264 = arith.constant 0 : i32
        %dma_wait3A_265 = tpu.memref_slice %arg3[%dma_wait3A_264] : memref<6553600xi32, #tpu.memory_space<hbm>> -> memref<5120xi32, #tpu.memory_space<hbm>>
        tpu.wait_dma2 semaphore(%arg34 : memref<!tpu.dma_semaphore, #tpu.memory_space<semaphore_mem>>) src(%dma_wait3A_265 : memref<5120xi32, #tpu.memory_space<hbm>>) dst(%arg19 : memref<5120xi32, #tpu.memory_space<vmem>>)
        %dma_start3A_266 = arith.constant 0 : i32
        %dma_start3A_267 = tpu.memref_slice %arg7[%dma_start3A_266] : memref<100096xf32, #tpu.memory_space<vmem_shared>> -> memref<100096xf32, #tpu.memory_space<vmem_shared>>
        tpu.enqueue_indirect_dma source(%dma_start3A_267 : memref<100096xf32, #tpu.memory_space<vmem_shared>>) target(%arg24 : memref<5120xf32, #tpu.memory_space<vmem>>) offsets(%arg14 : memref<5120xi32, #tpu.memory_space<vmem>>) semaphore(%arg39 : memref<!tpu.dma_semaphore, #tpu.memory_space<semaphore_mem>>)
        %lt3A = arith.constant 3 : i32
        %lt3A_268 = arith.cmpi slt, %scan3A_165, %lt3A : i32
        %convert_element_type3A_269 = arith.extui %lt3A_268 : i1 to i32
        %cond3A_270 = arith.constant 0 : i32
        %cond3A_271 = arith.cmpi ne, %convert_element_type3A_269, %cond3A_270 : i32
        scf.if %cond3A_271 {
          %add3A_333 = arith.constant 3 : i32
          %add3A_334 = arith.addi %add3A_241, %add3A_333 : i32
          %mul3A_335 = arith.constant 5120 : i32
          %mul3A_336 = arith.muli %add3A_334, %mul3A_335 : i32
          %add3A_337 = arith.addi %add3A_27, %mul3A_336 : i32
          %multiple_of3A_338 = tpu.assume_multiple %add3A_337, 8 : i32
          %dma_start3A_339 = tpu.memref_slice %arg3[%multiple_of3A_338] : memref<6553600xi32, #tpu.memory_space<hbm>> -> memref<5120xi32, #tpu.memory_space<hbm>>
          %dma_start3A_340 = tpu.memref_slice %arg3[%multiple_of3A_338] : memref<6553600xi32, #tpu.memory_space<hbm>> -> memref<5120xi32, #tpu.memory_space<hbm>>
          tpu.enqueue_dma source(%dma_start3A_340 : memref<5120xi32, #tpu.memory_space<hbm>>) target(%arg10 : memref<5120xi32, #tpu.memory_space<vmem>>) target_semaphore(%arg30 : memref<!tpu.dma_semaphore, #tpu.memory_space<semaphore_mem>>)
          %dma_start3A_341 = tpu.memref_slice %arg4[%multiple_of3A_338] : memref<6553600xi32, #tpu.memory_space<hbm>> -> memref<5120xi32, #tpu.memory_space<hbm>>
          %dma_start3A_342 = tpu.memref_slice %arg4[%multiple_of3A_338] : memref<6553600xi32, #tpu.memory_space<hbm>> -> memref<5120xi32, #tpu.memory_space<hbm>>
          tpu.enqueue_dma source(%dma_start3A_342 : memref<5120xi32, #tpu.memory_space<hbm>>) target(%arg15 : memref<5120xi32, #tpu.memory_space<vmem>>) target_semaphore(%arg30 : memref<!tpu.dma_semaphore, #tpu.memory_space<semaphore_mem>>)
        } else {
        }
        %mul3A_272 = arith.constant 5 : i32
        %mul3A_273 = arith.muli %scan3A_165, %mul3A_272 : i32
        %add3A_274 = arith.constant 3 : i32
        %add3A_275 = arith.addi %mul3A_273, %add3A_274 : i32
        %dma_wait3A_276 = arith.constant 0 : i32
        %dma_wait3A_277 = tpu.memref_slice %arg2[%dma_wait3A_276] : memref<400384xf32, #tpu.memory_space<hbm>> -> memref<5120xf32, #tpu.memory_space<hbm>>
        %dma_wait3A_278 = arith.constant 0 : i32
        %dma_wait3A_279 = tpu.memref_slice %arg2[%dma_wait3A_278] : memref<400384xf32, #tpu.memory_space<hbm>> -> memref<5120xf32, #tpu.memory_space<hbm>>
        tpu.wait_dma2 semaphore(%arg38 : memref<!tpu.dma_semaphore, #tpu.memory_space<semaphore_mem>>) src(%dma_wait3A_279 : memref<5120xf32, #tpu.memory_space<hbm>>) dst(%arg23 : memref<5120xf32, #tpu.memory_space<vmem>>)
        %dma_start3A_280 = arith.constant 0 : i32
        %dma_start3A_281 = tpu.memref_slice %arg8[%dma_start3A_280] : memref<12416xf32, #tpu.memory_space<vmem_shared>> -> memref<12416xf32, #tpu.memory_space<vmem_shared>>
        tpu.enqueue_indirect_dma source(%arg23 : memref<5120xf32, #tpu.memory_space<vmem>>) target(%dma_start3A_281 : memref<12416xf32, #tpu.memory_space<vmem_shared>>) offsets(%arg18 : memref<5120xi32, #tpu.memory_space<vmem>>) semaphore(%arg43 : memref<!tpu.dma_semaphore, #tpu.memory_space<semaphore_mem>>) {add = true}
        %dma_start3A_282 = arith.constant 0 : i32
        %dma_start3A_283 = tpu.memref_slice %arg9[%dma_start3A_282] : memref<12416xf32, #tpu.memory_space<vmem_shared>> -> memref<12416xf32, #tpu.memory_space<vmem_shared>>
        tpu.enqueue_indirect_dma source(%arg25 : memref<5120xf32, #tpu.memory_space<vmem>>) target(%dma_start3A_283 : memref<12416xf32, #tpu.memory_space<vmem_shared>>) offsets(%arg18 : memref<5120xi32, #tpu.memory_space<vmem>>) semaphore(%arg43 : memref<!tpu.dma_semaphore, #tpu.memory_space<semaphore_mem>>) {add = true}
        %dma_wait3A_284 = arith.constant 0 : i32
        %dma_wait3A_285 = tpu.memref_slice %arg2[%dma_wait3A_284] : memref<400384xf32, #tpu.memory_space<hbm>> -> memref<5120xf32, #tpu.memory_space<hbm>>
        %dma_wait3A_286 = arith.constant 0 : i32
        %dma_wait3A_287 = tpu.memref_slice %arg2[%dma_wait3A_286] : memref<400384xf32, #tpu.memory_space<hbm>> -> memref<5120xf32, #tpu.memory_space<hbm>>
        tpu.wait_dma2 semaphore(%arg41 : memref<!tpu.dma_semaphore, #tpu.memory_space<semaphore_mem>>) src(%dma_wait3A_287 : memref<5120xf32, #tpu.memory_space<hbm>>) dst(%arg21 : memref<5120xf32, #tpu.memory_space<vmem>>)
        %dma_wait3A_288 = arith.constant 0 : i32
        %dma_wait3A_289 = tpu.memref_slice %arg2[%dma_wait3A_288] : memref<400384xf32, #tpu.memory_space<hbm>> -> memref<5120xf32, #tpu.memory_space<hbm>>
        %dma_wait3A_290 = arith.constant 0 : i32
        %dma_wait3A_291 = tpu.memref_slice %arg2[%dma_wait3A_290] : memref<400384xf32, #tpu.memory_space<hbm>> -> memref<5120xf32, #tpu.memory_space<hbm>>
        tpu.wait_dma2 semaphore(%arg41 : memref<!tpu.dma_semaphore, #tpu.memory_space<semaphore_mem>>) src(%dma_wait3A_291 : memref<5120xf32, #tpu.memory_space<hbm>>) dst(%arg21 : memref<5120xf32, #tpu.memory_space<vmem>>)
        %lt3A_292 = arith.constant 3 : i32
        %lt3A_293 = arith.cmpi slt, %scan3A_165, %lt3A_292 : i32
        %convert_element_type3A_294 = arith.extui %lt3A_293 : i1 to i32
        %cond3A_295 = arith.constant 0 : i32
        %cond3A_296 = arith.cmpi ne, %convert_element_type3A_294, %cond3A_295 : i32
        scf.if %cond3A_296 {
          %dma_wait3A_333 = arith.constant 0 : i32
          %dma_wait3A_334 = tpu.memref_slice %arg3[%dma_wait3A_333] : memref<6553600xi32, #tpu.memory_space<hbm>> -> memref<5120xi32, #tpu.memory_space<hbm>>
          %dma_wait3A_335 = arith.constant 0 : i32
          %dma_wait3A_336 = tpu.memref_slice %arg3[%dma_wait3A_335] : memref<6553600xi32, #tpu.memory_space<hbm>> -> memref<5120xi32, #tpu.memory_space<hbm>>
          tpu.wait_dma2 semaphore(%arg30 : memref<!tpu.dma_semaphore, #tpu.memory_space<semaphore_mem>>) src(%dma_wait3A_336 : memref<5120xi32, #tpu.memory_space<hbm>>) dst(%arg10 : memref<5120xi32, #tpu.memory_space<vmem>>)
          %dma_wait3A_337 = arith.constant 0 : i32
          %dma_wait3A_338 = tpu.memref_slice %arg3[%dma_wait3A_337] : memref<6553600xi32, #tpu.memory_space<hbm>> -> memref<5120xi32, #tpu.memory_space<hbm>>
          %dma_wait3A_339 = arith.constant 0 : i32
          %dma_wait3A_340 = tpu.memref_slice %arg3[%dma_wait3A_339] : memref<6553600xi32, #tpu.memory_space<hbm>> -> memref<5120xi32, #tpu.memory_space<hbm>>
          tpu.wait_dma2 semaphore(%arg30 : memref<!tpu.dma_semaphore, #tpu.memory_space<semaphore_mem>>) src(%dma_wait3A_340 : memref<5120xi32, #tpu.memory_space<hbm>>) dst(%arg15 : memref<5120xi32, #tpu.memory_space<vmem>>)
          %dma_start3A_341 = arith.constant 0 : i32
          %dma_start3A_342 = tpu.memref_slice %arg7[%dma_start3A_341] : memref<100096xf32, #tpu.memory_space<vmem_shared>> -> memref<100096xf32, #tpu.memory_space<vmem_shared>>
          tpu.enqueue_indirect_dma source(%dma_start3A_342 : memref<100096xf32, #tpu.memory_space<vmem_shared>>) target(%arg20 : memref<5120xf32, #tpu.memory_space<vmem>>) offsets(%arg10 : memref<5120xi32, #tpu.memory_space<vmem>>) semaphore(%arg35 : memref<!tpu.dma_semaphore, #tpu.memory_space<semaphore_mem>>)
        } else {
        }
        %lt3A_297 = arith.constant 3 : i32
        %lt3A_298 = arith.cmpi slt, %scan3A_165, %lt3A_297 : i32
        %convert_element_type3A_299 = arith.extui %lt3A_298 : i1 to i32
        %cond3A_300 = arith.constant 0 : i32
        %cond3A_301 = arith.cmpi ne, %convert_element_type3A_299, %cond3A_300 : i32
        scf.if %cond3A_301 {
          %add3A_333 = arith.constant 3 : i32
          %add3A_334 = arith.addi %add3A_275, %add3A_333 : i32
          %mul3A_335 = arith.constant 5120 : i32
          %mul3A_336 = arith.muli %add3A_334, %mul3A_335 : i32
          %add3A_337 = arith.addi %add3A_27, %mul3A_336 : i32
          %multiple_of3A_338 = tpu.assume_multiple %add3A_337, 8 : i32
          %dma_start3A_339 = tpu.memref_slice %arg3[%multiple_of3A_338] : memref<6553600xi32, #tpu.memory_space<hbm>> -> memref<5120xi32, #tpu.memory_space<hbm>>
          %dma_start3A_340 = tpu.memref_slice %arg3[%multiple_of3A_338] : memref<6553600xi32, #tpu.memory_space<hbm>> -> memref<5120xi32, #tpu.memory_space<hbm>>
          tpu.enqueue_dma source(%dma_start3A_340 : memref<5120xi32, #tpu.memory_space<hbm>>) target(%arg11 : memref<5120xi32, #tpu.memory_space<vmem>>) target_semaphore(%arg31 : memref<!tpu.dma_semaphore, #tpu.memory_space<semaphore_mem>>)
          %dma_start3A_341 = tpu.memref_slice %arg4[%multiple_of3A_338] : memref<6553600xi32, #tpu.memory_space<hbm>> -> memref<5120xi32, #tpu.memory_space<hbm>>
          %dma_start3A_342 = tpu.memref_slice %arg4[%multiple_of3A_338] : memref<6553600xi32, #tpu.memory_space<hbm>> -> memref<5120xi32, #tpu.memory_space<hbm>>
          tpu.enqueue_dma source(%dma_start3A_342 : memref<5120xi32, #tpu.memory_space<hbm>>) target(%arg16 : memref<5120xi32, #tpu.memory_space<vmem>>) target_semaphore(%arg31 : memref<!tpu.dma_semaphore, #tpu.memory_space<semaphore_mem>>)
        } else {
        }
        %mul3A_302 = arith.constant 5 : i32
        %mul3A_303 = arith.muli %scan3A_165, %mul3A_302 : i32
        %add3A_304 = arith.constant 4 : i32
        %add3A_305 = arith.addi %mul3A_303, %add3A_304 : i32
        %dma_wait3A_306 = arith.constant 0 : i32
        %dma_wait3A_307 = tpu.memref_slice %arg2[%dma_wait3A_306] : memref<400384xf32, #tpu.memory_space<hbm>> -> memref<5120xf32, #tpu.memory_space<hbm>>
        %dma_wait3A_308 = arith.constant 0 : i32
        %dma_wait3A_309 = tpu.memref_slice %arg2[%dma_wait3A_308] : memref<400384xf32, #tpu.memory_space<hbm>> -> memref<5120xf32, #tpu.memory_space<hbm>>
        tpu.wait_dma2 semaphore(%arg39 : memref<!tpu.dma_semaphore, #tpu.memory_space<semaphore_mem>>) src(%dma_wait3A_309 : memref<5120xf32, #tpu.memory_space<hbm>>) dst(%arg24 : memref<5120xf32, #tpu.memory_space<vmem>>)
        %dma_start3A_310 = arith.constant 0 : i32
        %dma_start3A_311 = tpu.memref_slice %arg8[%dma_start3A_310] : memref<12416xf32, #tpu.memory_space<vmem_shared>> -> memref<12416xf32, #tpu.memory_space<vmem_shared>>
        tpu.enqueue_indirect_dma source(%arg24 : memref<5120xf32, #tpu.memory_space<vmem>>) target(%dma_start3A_311 : memref<12416xf32, #tpu.memory_space<vmem_shared>>) offsets(%arg19 : memref<5120xi32, #tpu.memory_space<vmem>>) semaphore(%arg44 : memref<!tpu.dma_semaphore, #tpu.memory_space<semaphore_mem>>) {add = true}
        %dma_start3A_312 = arith.constant 0 : i32
        %dma_start3A_313 = tpu.memref_slice %arg9[%dma_start3A_312] : memref<12416xf32, #tpu.memory_space<vmem_shared>> -> memref<12416xf32, #tpu.memory_space<vmem_shared>>
        tpu.enqueue_indirect_dma source(%arg25 : memref<5120xf32, #tpu.memory_space<vmem>>) target(%dma_start3A_313 : memref<12416xf32, #tpu.memory_space<vmem_shared>>) offsets(%arg19 : memref<5120xi32, #tpu.memory_space<vmem>>) semaphore(%arg44 : memref<!tpu.dma_semaphore, #tpu.memory_space<semaphore_mem>>) {add = true}
        %dma_wait3A_314 = arith.constant 0 : i32
        %dma_wait3A_315 = tpu.memref_slice %arg2[%dma_wait3A_314] : memref<400384xf32, #tpu.memory_space<hbm>> -> memref<5120xf32, #tpu.memory_space<hbm>>
        %dma_wait3A_316 = arith.constant 0 : i32
        %dma_wait3A_317 = tpu.memref_slice %arg2[%dma_wait3A_316] : memref<400384xf32, #tpu.memory_space<hbm>> -> memref<5120xf32, #tpu.memory_space<hbm>>
        tpu.wait_dma2 semaphore(%arg42 : memref<!tpu.dma_semaphore, #tpu.memory_space<semaphore_mem>>) src(%dma_wait3A_317 : memref<5120xf32, #tpu.memory_space<hbm>>) dst(%arg22 : memref<5120xf32, #tpu.memory_space<vmem>>)
        %dma_wait3A_318 = arith.constant 0 : i32
        %dma_wait3A_319 = tpu.memref_slice %arg2[%dma_wait3A_318] : memref<400384xf32, #tpu.memory_space<hbm>> -> memref<5120xf32, #tpu.memory_space<hbm>>
        %dma_wait3A_320 = arith.constant 0 : i32
        %dma_wait3A_321 = tpu.memref_slice %arg2[%dma_wait3A_320] : memref<400384xf32, #tpu.memory_space<hbm>> -> memref<5120xf32, #tpu.memory_space<hbm>>
        tpu.wait_dma2 semaphore(%arg42 : memref<!tpu.dma_semaphore, #tpu.memory_space<semaphore_mem>>) src(%dma_wait3A_321 : memref<5120xf32, #tpu.memory_space<hbm>>) dst(%arg22 : memref<5120xf32, #tpu.memory_space<vmem>>)
        %lt3A_322 = arith.constant 3 : i32
        %lt3A_323 = arith.cmpi slt, %scan3A_165, %lt3A_322 : i32
        %convert_element_type3A_324 = arith.extui %lt3A_323 : i1 to i32
        %cond3A_325 = arith.constant 0 : i32
        %cond3A_326 = arith.cmpi ne, %convert_element_type3A_324, %cond3A_325 : i32
        scf.if %cond3A_326 {
          %dma_wait3A_333 = arith.constant 0 : i32
          %dma_wait3A_334 = tpu.memref_slice %arg3[%dma_wait3A_333] : memref<6553600xi32, #tpu.memory_space<hbm>> -> memref<5120xi32, #tpu.memory_space<hbm>>
          %dma_wait3A_335 = arith.constant 0 : i32
          %dma_wait3A_336 = tpu.memref_slice %arg3[%dma_wait3A_335] : memref<6553600xi32, #tpu.memory_space<hbm>> -> memref<5120xi32, #tpu.memory_space<hbm>>
          tpu.wait_dma2 semaphore(%arg31 : memref<!tpu.dma_semaphore, #tpu.memory_space<semaphore_mem>>) src(%dma_wait3A_336 : memref<5120xi32, #tpu.memory_space<hbm>>) dst(%arg11 : memref<5120xi32, #tpu.memory_space<vmem>>)
          %dma_wait3A_337 = arith.constant 0 : i32
          %dma_wait3A_338 = tpu.memref_slice %arg3[%dma_wait3A_337] : memref<6553600xi32, #tpu.memory_space<hbm>> -> memref<5120xi32, #tpu.memory_space<hbm>>
          %dma_wait3A_339 = arith.constant 0 : i32
          %dma_wait3A_340 = tpu.memref_slice %arg3[%dma_wait3A_339] : memref<6553600xi32, #tpu.memory_space<hbm>> -> memref<5120xi32, #tpu.memory_space<hbm>>
          tpu.wait_dma2 semaphore(%arg31 : memref<!tpu.dma_semaphore, #tpu.memory_space<semaphore_mem>>) src(%dma_wait3A_340 : memref<5120xi32, #tpu.memory_space<hbm>>) dst(%arg16 : memref<5120xi32, #tpu.memory_space<vmem>>)
          %dma_start3A_341 = arith.constant 0 : i32
          %dma_start3A_342 = tpu.memref_slice %arg7[%dma_start3A_341] : memref<100096xf32, #tpu.memory_space<vmem_shared>> -> memref<100096xf32, #tpu.memory_space<vmem_shared>>
          tpu.enqueue_indirect_dma source(%dma_start3A_342 : memref<100096xf32, #tpu.memory_space<vmem_shared>>) target(%arg21 : memref<5120xf32, #tpu.memory_space<vmem>>) offsets(%arg11 : memref<5120xi32, #tpu.memory_space<vmem>>) semaphore(%arg36 : memref<!tpu.dma_semaphore, #tpu.memory_space<semaphore_mem>>)
        } else {
        }
        %lt3A_327 = arith.constant 3 : i32
        %lt3A_328 = arith.cmpi slt, %scan3A_165, %lt3A_327 : i32
        %convert_element_type3A_329 = arith.extui %lt3A_328 : i1 to i32
        %cond3A_330 = arith.constant 0 : i32
        %cond3A_331 = arith.cmpi ne, %convert_element_type3A_329, %cond3A_330 : i32
        scf.if %cond3A_331 {
          %add3A_333 = arith.constant 3 : i32
          %add3A_334 = arith.addi %add3A_305, %add3A_333 : i32
          %mul3A_335 = arith.constant 5120 : i32
          %mul3A_336 = arith.muli %add3A_334, %mul3A_335 : i32
          %add3A_337 = arith.addi %add3A_27, %mul3A_336 : i32
          %multiple_of3A_338 = tpu.assume_multiple %add3A_337, 8 : i32
          %dma_start3A_339 = tpu.memref_slice %arg3[%multiple_of3A_338] : memref<6553600xi32, #tpu.memory_space<hbm>> -> memref<5120xi32, #tpu.memory_space<hbm>>
          %dma_start3A_340 = tpu.memref_slice %arg3[%multiple_of3A_338] : memref<6553600xi32, #tpu.memory_space<hbm>> -> memref<5120xi32, #tpu.memory_space<hbm>>
          tpu.enqueue_dma source(%dma_start3A_340 : memref<5120xi32, #tpu.memory_space<hbm>>) target(%arg12 : memref<5120xi32, #tpu.memory_space<vmem>>) target_semaphore(%arg32 : memref<!tpu.dma_semaphore, #tpu.memory_space<semaphore_mem>>)
          %dma_start3A_341 = tpu.memref_slice %arg4[%multiple_of3A_338] : memref<6553600xi32, #tpu.memory_space<hbm>> -> memref<5120xi32, #tpu.memory_space<hbm>>
          %dma_start3A_342 = tpu.memref_slice %arg4[%multiple_of3A_338] : memref<6553600xi32, #tpu.memory_space<hbm>> -> memref<5120xi32, #tpu.memory_space<hbm>>
          tpu.enqueue_dma source(%dma_start3A_342 : memref<5120xi32, #tpu.memory_space<hbm>>) target(%arg17 : memref<5120xi32, #tpu.memory_space<vmem>>) target_semaphore(%arg32 : memref<!tpu.dma_semaphore, #tpu.memory_space<semaphore_mem>>)
        } else {
        }
        %scan3A_332 = arith.constant 0 : i32
        scf.yield %scan3A_332 : i32
      }
      %scan3A_128 = arith.constant 4 : i32
      %dma_wait3A_129 = arith.constant 0 : i32
      %dma_wait3A_130 = tpu.memref_slice %arg2[%dma_wait3A_129] : memref<400384xf32, #tpu.memory_space<hbm>> -> memref<5120xf32, #tpu.memory_space<hbm>>
      %dma_wait3A_131 = arith.constant 0 : i32
      %dma_wait3A_132 = tpu.memref_slice %arg2[%dma_wait3A_131] : memref<400384xf32, #tpu.memory_space<hbm>> -> memref<5120xf32, #tpu.memory_space<hbm>>
      tpu.wait_dma2 semaphore(%arg43 : memref<!tpu.dma_semaphore, #tpu.memory_space<semaphore_mem>>) src(%dma_wait3A_132 : memref<5120xf32, #tpu.memory_space<hbm>>) dst(%arg23 : memref<5120xf32, #tpu.memory_space<vmem>>)
      %dma_wait3A_133 = arith.constant 0 : i32
      %dma_wait3A_134 = tpu.memref_slice %arg2[%dma_wait3A_133] : memref<400384xf32, #tpu.memory_space<hbm>> -> memref<5120xf32, #tpu.memory_space<hbm>>
      %dma_wait3A_135 = arith.constant 0 : i32
      %dma_wait3A_136 = tpu.memref_slice %arg2[%dma_wait3A_135] : memref<400384xf32, #tpu.memory_space<hbm>> -> memref<5120xf32, #tpu.memory_space<hbm>>
      tpu.wait_dma2 semaphore(%arg43 : memref<!tpu.dma_semaphore, #tpu.memory_space<semaphore_mem>>) src(%dma_wait3A_136 : memref<5120xf32, #tpu.memory_space<hbm>>) dst(%arg23 : memref<5120xf32, #tpu.memory_space<vmem>>)
      %dma_wait3A_137 = arith.constant 0 : i32
      %dma_wait3A_138 = tpu.memref_slice %arg2[%dma_wait3A_137] : memref<400384xf32, #tpu.memory_space<hbm>> -> memref<5120xf32, #tpu.memory_space<hbm>>
      %dma_wait3A_139 = arith.constant 0 : i32
      %dma_wait3A_140 = tpu.memref_slice %arg2[%dma_wait3A_139] : memref<400384xf32, #tpu.memory_space<hbm>> -> memref<5120xf32, #tpu.memory_space<hbm>>
      tpu.wait_dma2 semaphore(%arg44 : memref<!tpu.dma_semaphore, #tpu.memory_space<semaphore_mem>>) src(%dma_wait3A_140 : memref<5120xf32, #tpu.memory_space<hbm>>) dst(%arg24 : memref<5120xf32, #tpu.memory_space<vmem>>)
      %dma_wait3A_141 = arith.constant 0 : i32
      %dma_wait3A_142 = tpu.memref_slice %arg2[%dma_wait3A_141] : memref<400384xf32, #tpu.memory_space<hbm>> -> memref<5120xf32, #tpu.memory_space<hbm>>
      %dma_wait3A_143 = arith.constant 0 : i32
      %dma_wait3A_144 = tpu.memref_slice %arg2[%dma_wait3A_143] : memref<400384xf32, #tpu.memory_space<hbm>> -> memref<5120xf32, #tpu.memory_space<hbm>>
      tpu.wait_dma2 semaphore(%arg44 : memref<!tpu.dma_semaphore, #tpu.memory_space<semaphore_mem>>) src(%dma_wait3A_144 : memref<5120xf32, #tpu.memory_space<hbm>>) dst(%arg24 : memref<5120xf32, #tpu.memory_space<vmem>>)
      %barrier3A_145 = arith.constant 0 : index
      tpu.barrier barrier_id(%barrier3A_145)
      %mul3A_146 = arith.constant 12288 : i32
      %mul3A_147 = arith.muli %add3A, %mul3A_146 : i32
      %mul3A_148 = arith.constant 768 : i32
      %mul3A_149 = arith.muli %arg1, %mul3A_148 : i32
      %add3A_150 = arith.addi %mul3A_147, %mul3A_149 : i32
      %multiple_of3A_151 = tpu.assume_multiple %add3A_150, 16 : i32
      %add3A_152 = arith.constant 4 : i32
      %add3A_153 = arith.addi %add3A_152, %add3A : i32
      %mul3A_154 = arith.constant 12288 : i32
      %mul3A_155 = arith.muli %add3A_153, %mul3A_154 : i32
      %mul3A_156 = arith.constant 768 : i32
      %mul3A_157 = arith.muli %arg1, %mul3A_156 : i32
      %add3A_158 = arith.addi %mul3A_155, %mul3A_157 : i32
      %multiple_of3A_159 = tpu.assume_multiple %add3A_158, 16 : i32
      %mul3A_160 = arith.constant 768 : i32
      %mul3A_161 = arith.muli %arg1, %mul3A_160 : i32
      "tpu.region"() ({
        %run_scoped3A = tpu.sem_alloc : memref<!tpu.dma_semaphore, #tpu.memory_space<semaphore_mem>>
        %dma_start3A_165 = arith.constant 0 : i32
        %dma_start3A_166 = tpu.memref_slice %arg29[%dma_start3A_165] : memref<6256xf32, #tpu.memory_space<vmem>> -> memref<768xf32, #tpu.memory_space<vmem>>
        %dma_start3A_167 = tpu.memref_slice %arg8[%mul3A_161] : memref<12416xf32, #tpu.memory_space<vmem_shared>> -> memref<768xf32, #tpu.memory_space<vmem_shared>>
        %dma_start3A_168 = arith.constant 0 : i32
        %dma_start3A_169 = tpu.memref_slice %arg29[%dma_start3A_168] : memref<6256xf32, #tpu.memory_space<vmem>> -> memref<768xf32, #tpu.memory_space<vmem>>
        %dma_start3A_170 = tpu.memref_slice %arg8[%mul3A_161] : memref<12416xf32, #tpu.memory_space<vmem_shared>> -> memref<768xf32, #tpu.memory_space<vmem_shared>>
        tpu.enqueue_dma source(%dma_start3A_170 : memref<768xf32, #tpu.memory_space<vmem_shared>>) target(%dma_start3A_169 : memref<768xf32, #tpu.memory_space<vmem>>) target_semaphore(%run_scoped3A : memref<!tpu.dma_semaphore, #tpu.memory_space<semaphore_mem>>)
        %dma_wait3A_171 = arith.constant 0 : i32
        %dma_wait3A_172 = tpu.memref_slice %arg29[%dma_wait3A_171] : memref<6256xf32, #tpu.memory_space<vmem>> -> memref<768xf32, #tpu.memory_space<vmem>>
        %dma_wait3A_173 = tpu.memref_slice %arg8[%mul3A_161] : memref<12416xf32, #tpu.memory_space<vmem_shared>> -> memref<768xf32, #tpu.memory_space<vmem_shared>>
        %dma_wait3A_174 = arith.constant 0 : i32
        %dma_wait3A_175 = tpu.memref_slice %arg29[%dma_wait3A_174] : memref<6256xf32, #tpu.memory_space<vmem>> -> memref<768xf32, #tpu.memory_space<vmem>>
        %dma_wait3A_176 = tpu.memref_slice %arg8[%mul3A_161] : memref<12416xf32, #tpu.memory_space<vmem_shared>> -> memref<768xf32, #tpu.memory_space<vmem_shared>>
        tpu.wait_dma2 semaphore(%run_scoped3A : memref<!tpu.dma_semaphore, #tpu.memory_space<semaphore_mem>>) src(%dma_wait3A_176 : memref<768xf32, #tpu.memory_space<vmem_shared>>) dst(%dma_wait3A_175 : memref<768xf32, #tpu.memory_space<vmem>>)
        tpu.yield
      }) : () -> ()
      "tpu.region"() ({
        %run_scoped3A = tpu.sem_alloc : memref<!tpu.dma_semaphore, #tpu.memory_space<semaphore_mem>>
        %dma_start3A_165 = arith.constant 0 : i32
        %dma_start3A_166 = tpu.memref_slice %arg29[%dma_start3A_165] : memref<6256xf32, #tpu.memory_space<vmem>> -> memref<768xf32, #tpu.memory_space<vmem>>
        %dma_start3A_167 = tpu.memref_slice %arg5[%multiple_of3A_151] : memref<98304xf32, #tpu.memory_space<hbm>> -> memref<768xf32, #tpu.memory_space<hbm>>
        %dma_start3A_168 = tpu.memref_slice %arg5[%multiple_of3A_151] : memref<98304xf32, #tpu.memory_space<hbm>> -> memref<768xf32, #tpu.memory_space<hbm>>
        %dma_start3A_169 = arith.constant 0 : i32
        %dma_start3A_170 = tpu.memref_slice %arg29[%dma_start3A_169] : memref<6256xf32, #tpu.memory_space<vmem>> -> memref<768xf32, #tpu.memory_space<vmem>>
        tpu.enqueue_dma source(%dma_start3A_170 : memref<768xf32, #tpu.memory_space<vmem>>) target(%dma_start3A_168 : memref<768xf32, #tpu.memory_space<hbm>>) target_semaphore(%run_scoped3A : memref<!tpu.dma_semaphore, #tpu.memory_space<semaphore_mem>>)
        %dma_wait3A_171 = arith.constant 0 : i32
        %dma_wait3A_172 = tpu.memref_slice %arg29[%dma_wait3A_171] : memref<6256xf32, #tpu.memory_space<vmem>> -> memref<768xf32, #tpu.memory_space<vmem>>
        %dma_wait3A_173 = tpu.memref_slice %arg5[%multiple_of3A_151] : memref<98304xf32, #tpu.memory_space<hbm>> -> memref<768xf32, #tpu.memory_space<hbm>>
        %dma_wait3A_174 = tpu.memref_slice %arg5[%multiple_of3A_151] : memref<98304xf32, #tpu.memory_space<hbm>> -> memref<768xf32, #tpu.memory_space<hbm>>
        %dma_wait3A_175 = arith.constant 0 : i32
        %dma_wait3A_176 = tpu.memref_slice %arg29[%dma_wait3A_175] : memref<6256xf32, #tpu.memory_space<vmem>> -> memref<768xf32, #tpu.memory_space<vmem>>
        tpu.wait_dma2 semaphore(%run_scoped3A : memref<!tpu.dma_semaphore, #tpu.memory_space<semaphore_mem>>) src(%dma_wait3A_176 : memref<768xf32, #tpu.memory_space<vmem>>) dst(%dma_wait3A_174 : memref<768xf32, #tpu.memory_space<hbm>>)
        tpu.yield
      }) : () -> ()
      %mul3A_162 = arith.constant 768 : i32
      %mul3A_163 = arith.muli %arg1, %mul3A_162 : i32
      "tpu.region"() ({
        %run_scoped3A = tpu.sem_alloc : memref<!tpu.dma_semaphore, #tpu.memory_space<semaphore_mem>>
        %dma_start3A_165 = arith.constant 0 : i32
        %dma_start3A_166 = tpu.memref_slice %arg29[%dma_start3A_165] : memref<6256xf32, #tpu.memory_space<vmem>> -> memref<768xf32, #tpu.memory_space<vmem>>
        %dma_start3A_167 = tpu.memref_slice %arg9[%mul3A_163] : memref<12416xf32, #tpu.memory_space<vmem_shared>> -> memref<768xf32, #tpu.memory_space<vmem_shared>>
        %dma_start3A_168 = arith.constant 0 : i32
        %dma_start3A_169 = tpu.memref_slice %arg29[%dma_start3A_168] : memref<6256xf32, #tpu.memory_space<vmem>> -> memref<768xf32, #tpu.memory_space<vmem>>
        %dma_start3A_170 = tpu.memref_slice %arg9[%mul3A_163] : memref<12416xf32, #tpu.memory_space<vmem_shared>> -> memref<768xf32, #tpu.memory_space<vmem_shared>>
        tpu.enqueue_dma source(%dma_start3A_170 : memref<768xf32, #tpu.memory_space<vmem_shared>>) target(%dma_start3A_169 : memref<768xf32, #tpu.memory_space<vmem>>) target_semaphore(%run_scoped3A : memref<!tpu.dma_semaphore, #tpu.memory_space<semaphore_mem>>)
        %dma_wait3A_171 = arith.constant 0 : i32
        %dma_wait3A_172 = tpu.memref_slice %arg29[%dma_wait3A_171] : memref<6256xf32, #tpu.memory_space<vmem>> -> memref<768xf32, #tpu.memory_space<vmem>>
        %dma_wait3A_173 = tpu.memref_slice %arg9[%mul3A_163] : memref<12416xf32, #tpu.memory_space<vmem_shared>> -> memref<768xf32, #tpu.memory_space<vmem_shared>>
        %dma_wait3A_174 = arith.constant 0 : i32
        %dma_wait3A_175 = tpu.memref_slice %arg29[%dma_wait3A_174] : memref<6256xf32, #tpu.memory_space<vmem>> -> memref<768xf32, #tpu.memory_space<vmem>>
        %dma_wait3A_176 = tpu.memref_slice %arg9[%mul3A_163] : memref<12416xf32, #tpu.memory_space<vmem_shared>> -> memref<768xf32, #tpu.memory_space<vmem_shared>>
        tpu.wait_dma2 semaphore(%run_scoped3A : memref<!tpu.dma_semaphore, #tpu.memory_space<semaphore_mem>>) src(%dma_wait3A_176 : memref<768xf32, #tpu.memory_space<vmem_shared>>) dst(%dma_wait3A_175 : memref<768xf32, #tpu.memory_space<vmem>>)
        tpu.yield
      }) : () -> ()
      "tpu.region"() ({
        %run_scoped3A = tpu.sem_alloc : memref<!tpu.dma_semaphore, #tpu.memory_space<semaphore_mem>>
        %dma_start3A_165 = arith.constant 0 : i32
        %dma_start3A_166 = tpu.memref_slice %arg29[%dma_start3A_165] : memref<6256xf32, #tpu.memory_space<vmem>> -> memref<768xf32, #tpu.memory_space<vmem>>
        %dma_start3A_167 = tpu.memref_slice %arg5[%multiple_of3A_159] : memref<98304xf32, #tpu.memory_space<hbm>> -> memref<768xf32, #tpu.memory_space<hbm>>
        %dma_start3A_168 = tpu.memref_slice %arg5[%multiple_of3A_159] : memref<98304xf32, #tpu.memory_space<hbm>> -> memref<768xf32, #tpu.memory_space<hbm>>
        %dma_start3A_169 = arith.constant 0 : i32
        %dma_start3A_170 = tpu.memref_slice %arg29[%dma_start3A_169] : memref<6256xf32, #tpu.memory_space<vmem>> -> memref<768xf32, #tpu.memory_space<vmem>>
        tpu.enqueue_dma source(%dma_start3A_170 : memref<768xf32, #tpu.memory_space<vmem>>) target(%dma_start3A_168 : memref<768xf32, #tpu.memory_space<hbm>>) target_semaphore(%run_scoped3A : memref<!tpu.dma_semaphore, #tpu.memory_space<semaphore_mem>>)
        %dma_wait3A_171 = arith.constant 0 : i32
        %dma_wait3A_172 = tpu.memref_slice %arg29[%dma_wait3A_171] : memref<6256xf32, #tpu.memory_space<vmem>> -> memref<768xf32, #tpu.memory_space<vmem>>
        %dma_wait3A_173 = tpu.memref_slice %arg5[%multiple_of3A_159] : memref<98304xf32, #tpu.memory_space<hbm>> -> memref<768xf32, #tpu.memory_space<hbm>>
        %dma_wait3A_174 = tpu.memref_slice %arg5[%multiple_of3A_159] : memref<98304xf32, #tpu.memory_space<hbm>> -> memref<768xf32, #tpu.memory_space<hbm>>
        %dma_wait3A_175 = arith.constant 0 : i32
        %dma_wait3A_176 = tpu.memref_slice %arg29[%dma_wait3A_175] : memref<6256xf32, #tpu.memory_space<vmem>> -> memref<768xf32, #tpu.memory_space<vmem>>
        tpu.wait_dma2 semaphore(%run_scoped3A : memref<!tpu.dma_semaphore, #tpu.memory_space<semaphore_mem>>) src(%dma_wait3A_176 : memref<768xf32, #tpu.memory_space<vmem>>) dst(%dma_wait3A_174 : memref<768xf32, #tpu.memory_space<hbm>>)
        tpu.yield
      }) : () -> ()
      %scan3A_164 = arith.constant 0 : i32
      scf.yield %scan3A_164 : i32
    }
    %scan3A_19 = arith.constant 2 : i32
    return
  }
}

module attributes {stable_mosaic.version = 14 : i64} {
  func.func @_tc_body(%arg0: i32, %arg1: memref<8x1024xf32, #tpu.memory_space<vmem>>, %arg2: memref<4x128xf32, #tpu.memory_space<vmem>>, %arg3: memref<4x128xf32, #tpu.memory_space<vmem>>, %arg4: memref<1024x1x4x128xf32, #tpu.memory_space<vmem>>) attributes {dimension_semantics = [#tpu.dimension_semantics<arbitrary>], iteration_bounds = array<i64: 12>, scalar_prefetch = 0 : i64, scratch_operands = 0 : i64, tpu.core_type = #tpu.core_type<tc>, window_params = [{transform_indices = @transform_0, window_bounds = array<i64: 8, 1024>}, {pipeline_mode = #tpu.pipeline_mode<synchronous>, transform_indices = @transform_1, window_bounds = array<i64: 4, 128>}, {pipeline_mode = #tpu.pipeline_mode<synchronous>, transform_indices = @transform_2, window_bounds = array<i64: 4, 128>}, {transform_indices = @transform_3, window_bounds = array<i64: 1024, 1, 4, 128>}]} {
    %get3A = arith.constant 0 : index
    %get3A_0 = arith.constant 0 : index
    %get3A_1 = vector.load %arg1[%get3A, %get3A_0] : memref<8x1024xf32, #tpu.memory_space<vmem>>, vector<8x1024xf32>
    %slice3A = vector.extract_strided_slice %get3A_1 {offsets = [0, 0], sizes = [4, 1024], strides = [1, 1]} : vector<8x1024xf32> to vector<4x1024xf32>
    %slice3A_2 = vector.extract_strided_slice %get3A_1 {offsets = [4, 0], sizes = [4, 1024], strides = [1, 1]} : vector<8x1024xf32> to vector<4x1024xf32>
    %max3A = arith.constant 1.000000e+00 : f32
    %max3A_3 = vector.broadcast %max3A : f32 to vector<4x1024xf32>
    %max3A_4 = arith.maximumf %slice3A_2, %max3A_3 : vector<4x1024xf32>
    %rsqrt3A = math.rsqrt %max3A_4 : vector<4x1024xf32>
    %mul3A = arith.mulf %slice3A, %rsqrt3A : vector<4x1024xf32>
    %transpose3A = tpu.transpose %mul3A, [1, 0] : vector<4x1024xf32> -> vector<1024x4xf32>
    %broadcast_in_dim3A = vector.shape_cast %transpose3A : vector<1024x4xf32> to vector<1024x4x1xf32>
    %get3A_5 = arith.constant 0 : index
    %get3A_6 = arith.constant 0 : index
    %get3A_7 = vector.load %arg2[%get3A_5, %get3A_6] : memref<4x128xf32, #tpu.memory_space<vmem>>, vector<4x128xf32>
    %broadcast_in_dim3A_8 = vector.shape_cast %get3A_7 : vector<4x128xf32> to vector<1x4x128xf32>
    %mul3A_9 = vector.broadcast %broadcast_in_dim3A : vector<1024x4x1xf32> to vector<1024x4x128xf32>
    %mul3A_10 = vector.broadcast %broadcast_in_dim3A_8 : vector<1x4x128xf32> to vector<1024x4x128xf32>
    %mul3A_11 = arith.mulf %mul3A_9, %mul3A_10 : vector<1024x4x128xf32>
    %get3A_12 = arith.constant 0 : index
    %get3A_13 = arith.constant 0 : index
    %get3A_14 = vector.load %arg3[%get3A_12, %get3A_13] : memref<4x128xf32, #tpu.memory_space<vmem>>, vector<4x128xf32>
    %broadcast_in_dim3A_15 = vector.shape_cast %get3A_14 : vector<4x128xf32> to vector<1x4x128xf32>
    %add3A = vector.broadcast %broadcast_in_dim3A_15 : vector<1x4x128xf32> to vector<1024x4x128xf32>
    %add3A_16 = arith.addf %mul3A_11, %add3A : vector<1024x4x128xf32>
    %gt3A = arith.constant 0.000000e+00 : f32
    %gt3A_17 = vector.broadcast %gt3A : f32 to vector<1024x4x128xf32>
    %gt3A_18 = arith.cmpf ogt, %add3A_16, %gt3A_17 : vector<1024x4x128xf32>
    %mul3A_19 = arith.constant 0.00999999977 : f32
    %mul3A_20 = vector.broadcast %mul3A_19 : f32 to vector<1024x4x128xf32>
    %mul3A_21 = arith.mulf %mul3A_20, %add3A_16 : vector<1024x4x128xf32>
    %select_n3A = arith.select %gt3A_18, %add3A_16, %mul3A_21 : vector<1024x4x128xi1>, vector<1024x4x128xf32>
    %broadcast_in_dim3A_22 = vector.shape_cast %select_n3A : vector<1024x4x128xf32> to vector<1024x1x4x128xf32>
    %swap3A = arith.constant 0 : index
    %swap3A_23 = arith.constant 0 : index
    %swap3A_24 = arith.constant 0 : index
    %swap3A_25 = arith.constant 0 : index
    %swap3A_26 = vector.load %arg4[%swap3A, %swap3A_23, %swap3A_24, %swap3A_25] : memref<1024x1x4x128xf32, #tpu.memory_space<vmem>>, vector<1024x1x4x128xf32>
    tpu.vector_store %arg4[%swap3A, %swap3A_23, %swap3A_24, %swap3A_25], %broadcast_in_dim3A_22 {strides = array<i32>} : memref<1024x1x4x128xf32, #tpu.memory_space<vmem>>, vector<1024x1x4x128xf32>,
    return
  }
  func.func @transform_0(%arg0: i32) -> (i32, i32) {
    %c0_i32 = arith.constant 0 : i32
    %c0_i32_0 = arith.constant 0 : i32
    return %c0_i32, %arg0 : i32, i32
  }
  func.func @transform_1(%arg0: i32) -> (i32, i32) {
    %c0_i32 = arith.constant 0 : i32
    %c0_i32_0 = arith.constant 0 : i32
    %c0_i32_1 = arith.constant 0 : i32
    return %c0_i32, %c0_i32_0 : i32, i32
  }
  func.func @transform_2(%arg0: i32) -> (i32, i32) {
    %c0_i32 = arith.constant 0 : i32
    %c0_i32_0 = arith.constant 0 : i32
    %c0_i32_1 = arith.constant 0 : i32
    return %c0_i32, %c0_i32_0 : i32, i32
  }
  func.func @transform_3(%arg0: i32) -> (i32, i32, i32, i32) {
    %c0_i32 = arith.constant 0 : i32
    %c0_i32_0 = arith.constant 0 : i32
    %c0_i32_1 = arith.constant 0 : i32
    %c0_i32_2 = arith.constant 0 : i32
    return %arg0, %c0_i32, %c0_i32_0, %c0_i32_1 : i32, i32, i32, i32
  }
}

</mosaic_0001>

<sc_bundles>
// kernel: kernel.4.cloned.1.call-start
scs
__scs_entry_jumppad:
0x0: {  	(pc) =	sbr.rel $0x88, $3  }
0x1: {  	(tag) =	ssettag $0x0;
	lr =	simm.s32 $0x1  }
0x2: {  	[smem:$0x3F9C] =	sst lr;
	_ =	strace $0xD0000000  }
0x3: {  	_ = 	snop  }
0x4: {  	_ = 	snop  }
0x5: {  	_ = 	snop  }
0x6: {  	_ = 	snop  }
0x7: {  	_ = 	snop  }
__scs_overlays_trampoline_lowered:
0x8: {  	[smem:$0x3FAB] =	sst s0  }
0x9: {  	[smem:$0x3FAC] =	sst s1  }
0xa: {  	[smem:$0x3FAD] =	sst s2  }
0xb: {  	[smem:$0x3FAE] =	sst s3  }
0xc: {  	[smem:$0x3FAF] =	sst s4  }
0xd: {  	[smem:$0x3FB0] =	sst s5  }
0xe: {  	[smem:$0x3FB1] =	sst s6  }
0xf: {  	[smem:$0x3FB2] =	sst s7  }
0x10: {  	[smem:$0x3FB3] =	sst s8  }
0x11: {  	[smem:$0x3FB4] =	sst s9;
	s0 =	simm.s32 @!p0 $0x0  }
0x12: {  	s1 =	sld [smem:$0x3F9A];
	s0 =	simm.s32 @p0 $0x1  }
0x13: {  	[smem:$0x3FB5] =	sst s0;
	s0 =	simm.s32 @!p1 $0x0  }
0x14: {  	s2 =	sld [smem:$0x3F99];
	s0 =	simm.s32 @p1 $0x1  }
0x15: {  	[smem:$0x3FB6] =	sst s0;
	s0 =	simm.s32 @!p2 $0x0  }
0x16: {  	s3 =	sld [smem:$0x3FDB];
	s0 =	simm.s32 @p2 $0x1  }
0x17: {  	s4 =	simm.s32 $0x1BF5;
	[smem:$0x3FB8] =	sst s0  }
0x18: {  	s0 =	sld [smem:$0x3F9B];
	_ =	swait.ge [sflag:s4], $0x0  }
0x19: {  	s7 =	sld [smem:$0x3F9C]  }
0x1a: {  	s8 =	sadd.s32 $0xFFFFE003, lr  }
0x1b: {  	s9 =	sadd.s32 $0xFFFFFEF7, lr;
	s5 =	simm.s32 $0xFFFFFFFF;
	p2 =	slt.u32 s8, $0xFFFFF086  }
0x1c: {  	p1 =	slt.u32 s9, $0xF7A;
	s5 =	simm.s32 @!p2 $0x0  }
0x1d: {  	s5 =	simm.s32 @p1 $0x1;
	p0 =	seq.s32 s7, s2  }
0x1e: {  	s7 =	smul.u32 @!p0 $0xF7A, s2;
	p2 =	seq.s32 @!p0 s5, $0x0  }
0x1f: {  	s9 =	smul.u32 $0xF7A, s1;
	s8 =	simm.s32 @!p0 $0x1BF5;
	p2 =	por !p2, p0  }
0x20: {  	[sflag:s8] =	ssyncset.s32 @!p0 $0xFFFFF086;
	s6 =	sadd.s32 @!p0 s3, s7;
	s7 =	simm.s32 @!p0 $0x108  }
0x21: {  	s3 =	sadd.s32 s3, s9;
	s6 =	sadd.s32 @!p0 $0x88, s6;
	s7 =	simm.s32 @p2 $0x1082  }
0x22: {  	[simem:s7], [sflag:s8] =	dma.local @!p0 [hbm:s6], $0xF7A  }
0x23: {  	s9 =	sor.u32 $0xD0000000, s2;
	s6 =	simm.s32 $0x108;
	_ =	swait.ge @!p0 [sflag:s8], $0x0  }
0x24: {  	s3 =	sadd.s32 $0x88, s3;
	s6 =	simm.s32 @!p1 $0x1082;
	[sflag:s4] =	ssyncset.s32 $0xFFFFF086  }
0x25: {  	[simem:s6], [sflag:s4] =	dma.local [hbm:s3], $0xF7A  }
0x26: {  	[smem:$0x3F9C] =	sst s1;
	(tag) =	ssettag s2;
	_ =	strace s9  }
0x27: {  	s1 =	sld [smem:$0x3FAC]  }
0x28: {  	s2 =	sld [smem:$0x3FAD]  }
0x29: {  	s4 =	sld [smem:$0x3FAF]  }
0x2a: {  	p0 =	seq.s32 s5, $0x0;
	s5 =	sld [smem:$0x3FB0]  }
0x2b: {  	s6 =	sld [smem:$0x3FB1]  }
0x2c: {  	s7 =	sld [smem:$0x3FB2]  }
0x2d: {  	s3 =	simm.s32 $0x108;
	s8 =	sld [smem:$0x3FB3]  }
0x2e: {  	s3 =	simm.s32 @!p0 $0x1082;
	s9 =	sld [smem:$0x3FB4]  }
0x2f: {  	lr =	sadd.s32 s0, s3;
	s0 =	sld [smem:$0x3FAB]  }
0x30: {  	s3 =	sld [smem:$0x3FAE]  }
0x31: {  	[smem:$0x3FB7] =	sst s10  }
0x32: {  	s10 =	sld [smem:$0x3FB5];
	_ =	sdelay $0x3  }
0x33: {  	p0 =	seq.s32 s10, $0x1;
	s10 =	sld [smem:$0x3FB7];
	_ =	sdelay $0x3  }
0x34: {  	[smem:$0x3FB7] =	sst s10  }
0x35: {  	s10 =	sld [smem:$0x3FB6];
	_ =	sdelay $0x3  }
0x36: {  	p1 =	seq.s32 s10, $0x1;
	s10 =	sld [smem:$0x3FB7];
	_ =	sdelay $0x3  }
0x37: {  	[smem:$0x3FB7] =	sst s10  }
0x38: {  	s10 =	sld [smem:$0x3FB8]  }
0x39: {  	_ = 	snop;
	(pc) =	sbr.ind lr, $3  }
0x3a: {  	_ = 	snop  }
0x3b: {  	_ = 	snop  }
0x3c: {  	p2 =	seq.s32 s10, $0x1;
	s10 =	sld [smem:$0x3FB7]  }
0x3d: {  	_ =	shalt  }
0x3e: {  	_ =	shalt  }
0x3f: {  	_ =	shalt  }
0x40: {  	_ =	shalt  }
0x41: {  	_ =	shalt  }
0x42: {  	_ =	shalt  }
0x43: {  	_ =	shalt  }
0x44: {  	_ =	shalt  }
0x45: {  	_ =	shalt  }
0x46: {  	_ =	shalt  }
0x47: {  	_ =	shalt  }
0x48: {  	_ =	shalt  }
0x49: {  	_ =	shalt  }
0x4a: {  	_ =	shalt  }
0x4b: {  	_ =	shalt  }
0x4c: {  	_ =	shalt  }
0x4d: {  	_ =	shalt  }
0x4e: {  	_ =	shalt  }
0x4f: {  	_ =	shalt  }
0x50: {  	_ =	shalt  }
0x51: {  	_ =	shalt  }
0x52: {  	_ =	shalt  }
0x53: {  	_ =	shalt  }
0x54: {  	_ =	shalt  }
0x55: {  	_ =	shalt  }
0x56: {  	_ =	shalt  }
0x57: {  	_ =	shalt  }
0x58: {  	_ =	shalt  }
0x59: {  	_ =	shalt  }
0x5a: {  	_ =	shalt  }
0x5b: {  	_ =	shalt  }
0x5c: {  	_ =	shalt  }
0x5d: {  	_ =	shalt  }
0x5e: {  	_ =	shalt  }
0x5f: {  	_ =	shalt  }
0x60: {  	_ =	shalt  }
0x61: {  	_ =	shalt  }
0x62: {  	_ =	shalt  }
0x63: {  	_ =	shalt  }
0x64: {  	_ =	shalt  }
0x65: {  	_ =	shalt  }
0x66: {  	_ =	shalt  }
0x67: {  	_ =	shalt  }
0x68: {  	_ =	shalt  }
0x69: {  	_ =	shalt  }
0x6a: {  	_ =	shalt  }
0x6b: {  	_ =	shalt  }
0x6c: {  	_ =	shalt  }
0x6d: {  	_ =	shalt  }
0x6e: {  	_ =	shalt  }
0x6f: {  	_ =	shalt  }
0x70: {  	_ =	shalt  }
0x71: {  	_ =	shalt  }
0x72: {  	_ =	shalt  }
0x73: {  	_ =	shalt  }
0x74: {  	_ =	shalt  }
0x75: {  	_ =	shalt  }
0x76: {  	_ =	shalt  }
0x77: {  	_ =	shalt  }
0x78: {  	_ =	shalt  }
0x79: {  	_ =	shalt  }
0x7a: {  	_ =	shalt  }
0x7b: {  	_ =	shalt  }
0x7c: {  	_ =	shalt  }
0x7d: {  	_ =	shalt  }
0x7e: {  	_ =	shalt  }
0x7f: {  	_ =	shalt  }
0x80: {  	_ =	shalt  }
0x81: {  	_ =	shalt  }
0x82: {  	_ =	shalt  }
0x83: {  	_ =	shalt  }
0x84: {  	_ =	shalt  }
0x85: {  	_ =	shalt  }
0x86: {  	_ =	shalt  }
0x87: {  	_ =	shalt  }
.Lfunc_end0:
.L_simem_size_0:
called_computation_lowered:
.L_overlay_start_0:
0x88: {  	s2 =	sld [smem:$0x3FD9]  }
0x89: {  	s3 =	sld [smem:$0x3FFE];
	_ =	sdelay $0x1  }
0x8a: {  	s1 =	srdreg.scid  }
0x8b: {  	s0 =	sand.u32 $0x1, s1  }
0x8c: {  	s17 =	sshll.u32 s0, $0xA;
	s2 =	sadd.s32 s3, s2  }
0x8d: {  	s2 =	sadd.s32 s2, s17  }
0x8e: {  	[smem:$0x3FC3] =	sst s2  }
0x8f: {  	_ = 	snop  }
0x90: {  	s2 =	sld [smem:$0x3FD0];
	(tm) =	ssettm $0x1  }
0x91: {  	s18 =	sld [smem:$0x3FFB];
	_ =	sdelay $0x3  }
0x92: {  	_ =	strace s18  }
0x93: {  	s3 =	sld [smem:$0x3FFC];
	_ =	sdelay $0x3  }
0x94: {  	_ =	strace s3  }
0x95: {  	s3 =	sld [smem:$0x3FFD];
	_ =	sdelay $0x3  }
0x96: {  	_ =	strace s3  }
0x97: {  	_ =	strace $0x8FFFFFFF  }
0x98: {  	s19 =	sld [smem:$0x3FDB];
	_ =	sdelay $0x1  }
0x99: {  	s4 =	simm.s32 $_scs_section_size  }
0x9a: {  	s5 =	simm.s32 $_size__tile_overlayer_lowered;
	s6 =	simm.s32 $_tile_overlayer_lowered  }
0x9b: {  	s22 =	simm.s32 $0x1BFF;
	s21 =	sshll.u32 s6, $0x1;
	s3 =	sadd.s32 s4, s19  }
0x9c: {  	s7 =	simm.s32 $0x0;
	s20 =	sshll.u32 s5, $0x1;
	s5 =	sadd.s32 s21, s3  }
0x9d: {  	[timem:s7], [sflag:s22] =	dma.local [hbm:s5], s20  }
0x9e: {  	_ =	swait.ge [sflag:s22], s20  }
0x9f: {  	s4 =	ssub.s32 $0x0, s20;
	[sflag:s22] =	ssyncset.done $0x0  }
0xa0: {  	[sflag:s22] =	ssyncadd.s32 s4;
	_ =	sdelay $0x1  }
0xa1: {  	s23 =	simm.s32 $0x1B8B  }
0xa2: {  	_ =	swait.ge [sflag:s23], $0x1  }
0xa3: {  	[sflag:s23] =	ssyncset.done $0x0  }
0xa4: {  	s25 =	simm.s32 $0x1B8E;
	s24 =	sld [smem:$0x3FFE];
	[sflag:s23] =	ssyncadd.s32 $0xFFFFFFFF  }
0xa5: {  	s26 =	simm.s32 $execute0_lowered;
	[smem:$0x3FD2] =	sst s25  }
0xa6: {  	s5 =	sshll.u32 s26, $0x1;
	_ =	strace $0x80000046;
	[dreg:$0x1] =	wrdreg $0xFFFFFFFF  }
0xa7: {  	s28 =	simm.s32 $_size_execute0_lowered;
	s3 =	sadd.s32 s3, s5;
	[dreg:$0x0] =	wrdreg $0x0  }
0xa8: {  	s5 =	sshll.u32 s28, $0x1;
	[dreg:$0x2] =	wrdreg s3  }
0xa9: {  	[dreg:$0x3] =	wrdreg s5  }
0xaa: {  	[dreg:$0x4] =	wrdreg $0xC0  }
0xab: {  	_ =	task [dreg:s7], $0x5FFFF  }
0xac: {  	[dreg:$0x1] =	wrdreg $0xFFFFFFFF  }
0xad: {  	[dreg:$0x0] =	wrdreg $0x60  }
0xae: {  	[dreg:$0x2] =	wrdreg s2  }
0xaf: {  	[dreg:$0x3] =	wrdreg s24  }
0xb0: {  	[dreg:$0x4] =	wrdreg $0x0  }
0xb1: {  	[dreg:$0x5] =	wrdreg $0x30E00  }
0xb2: {  	[dreg:$0x6] =	wrdreg $0x33E80  }
0xb3: {  	[dreg:$0x7] =	wrdreg $0x18700  }
0xb4: {  	[dreg:$0x8] =	wrdreg $0x9  }
0xb5: {  	_ =	task.clear_ibuf [dreg:s7], $0x9FFFF;
	_ =	strace $0x90000046  }
0xb6: {  	s29 =	simm.s32 $0x9;
	_ =	strace $0x80000048  }
0xb7: {  	_ =	swait.ge [sflag:s29], $0x1  }
0xb8: {  	[sflag:s29] =	ssyncadd.s32 $0xFFFFFFFF  }
0xb9: {  	_ =	strace $0x90000048  }
0xba: {  	_ =	sfence  }
0xbb: {  	s30 =	sld [smem:$0x0];
	_ =	sdelay $0x2  }
0xbc: {  	s31 =	sshll.u32 s1, $0xD;
	s1 =	sshrl.u32 s1, $0x2  }
0xbd: {  	s3 =	sand.u32 $0x4000, s31;
	s1 =	sadd.s32 s1, s30  }
0xbe: {  	s0 =	sor.u32 s3, s0;
	s1 =	sshll.u32 s1, $0x11  }
0xbf: {  	s0 =	sor.u32 s1, s0  }
0xc0: {  	s0 =	sadd.s32 $0x8F2B, s0  }
0xc1: {  	[sflag:s0] =	ssyncadd.remote.s32 $0x1  }
0xc2: {  	_ =	sfence.sel $0xFFFF  }
0xc3: {  	[dreg:$0x0] =	wrdreg $0xFFFFFFFF;
	(pc) =	sbr.abs _section_cstart, $3  }
0xc4: {  	[dreg:$0x1] =	wrdreg $0xFFFFFFFF  }
0xc5: {  	_ =	task.clear_ibuf [dreg:s7], $0x2FFFF;
	_ =	strace $0x9FFFFFFF  }
0xc6: {  	(tm) =	ssettm $0x7FFFFFFF  }
0xc7: {  	_ =	shalt  }
tec
execute0_lowered:
.L_overlay_start_1:
0x0: {  	(tag) =	ssettag $0x1  }
0x1: {  	s0 =	rddreg [dreg:$0x1]  }
0x2: {  	s30 =	rddreg [dreg:$0x2]  }
0x3: {  	s3 =	rddreg [dreg:$0x3]  }
0x4: {  	s4 =	rddreg [dreg:$0x4]  }
0x5: {  	s5 =	rddreg [dreg:$0x5]  }
0x6: {  	s7 =	simm.s32 $0x0;
	s1 =	srdreg.scid;
	s11 =	stileid.u32  }
0x7: {  	[smem:$0x7FF] =	sst s7;
	s1 =	sand.u32 $0x1, s1;
	s6 =	sadd.s32 $0xA00, s0  }
0x8: {  	s8 =	sadd.s32 $0xC8A00, s0;
	_ =	strace $0x80000047;
	[dreg:$0x1a] =	wrdreg s6  }
0x9: {  	s12 =	smul.u32 $0x19000, s11;
	s0 =	sadd.s32 $0x190A00, s0;
	[dreg:$0x9] =	wrdreg s8  }
0xa: {  	s13 =	smul.u32 $0x1870, s11;
	[dreg:$0xa] =	wrdreg s0;
	s18 =	sshll.u32 s1, $0x1  }
0xb: {  	s29 =	simm.s32 $0x36F0;
	s10 =	smul.u32 $0x308, s11;
	[dreg:$0xc] =	wrdreg s18  }
0xc: {  	s9 =	simm.s32 $0x72F0;
	s17 =	smul.u32 $0x300, s11;
	[dreg:$0x8] =	wrdreg s13  }
0xd: {  	s2 =	simm.s32 $0xAEF0;
	s14 =	ssub.s32 $0x2, s1;
	[dreg:$0x7] =	wrdreg s12  }
0xe: {  	s1 =	smul.u32 $0x320000, s1;
	s19 =	sadd.s32 s10, s3;
	[dreg:$0xb] =	wrdreg s17  }
0xf: {  	s8 =	simm.s32 $0x162F0;
	s20 =	sadd.s32 s10, s4;
	[dreg:$0xe] =	wrdreg s19  }
0x10: {  	s15 =	sshrl.u32 s14, $0x1;
	s21 =	sadd.s32 s13, s5;
	[dreg:$0xf] =	wrdreg s20  }
0x11: {  	s22 =	sor.u32 $0xC000, s17;
	s28 =	sadd.s32 s17, s3;
	[dreg:$0x10] =	wrdreg s21  }
0x12: {  	s31 =	sadd.s32 s17, s4;
	s17 =	simm.s32 $0xB;
	[dreg:$0x11] =	wrdreg s22  }
0x13: {  	s18 =	simm.s32 $0x5;
	s4 =	simm.s32 $0x0;
	[dreg:$0x18] =	wrdreg s28  }
0x14: {  	s16 =	ssub.s32 s14, s15;
	s15 =	sadd.s32 s13, s30;
	[dreg:$0x19] =	wrdreg s31  }
0x15: {  	s23 =	sadd.s32 s12, s1;
	s0 =	smax.u32 s16, $0x1;
	[dreg:$0xd] =	wrdreg s15  }
0x16: {  	s14 =	simm.s32 $0x2;
	s1 =	sadd.s32 $0x8C00, s23;
	[dreg:$0x12] =	wrdreg s0  }
.Ltmp0:
0x17: {  	s24 =	sadd.s32 $0x7800, s23;
	[dreg:$0x13] =	wrdreg s1;
	(pc) =	sbr.rel .LBB2_1-.Ltmp0, $4  }
0x18: {  	s19 =	simm.s32 $0xD;
	s25 =	sadd.s32 $0x6400, s23;
	[dreg:$0x14] =	wrdreg s24  }
0x19: {  	s26 =	sadd.s32 $0x5000, s23;
	s16 =	simm.s32 $0x3;
	[dreg:$0x15] =	wrdreg s25  }
0x1a: {  	[dreg:$0x16] =	wrdreg s26;
	s0 =	sadd.s32 $0x3C00, s23;
	s24 =	simm.s32 $0x10  }
0x1b: {  	v0 =	vimm.f32 $0.0e+00;
	v1 =	vimm.f32 $1.000000000e+00;
	vm0 =	vmmov $0xffff;
	s26 =	simm.s32 $0x5EF0;
	s1 =	simm.s32 $0x1400;
	[dreg:$0x17] =	wrdreg s0  }
.LBB2_15:
0x1c: {  	s4 =	rddreg [dreg:$0x1b]  }
0x1d: {  	s0 =	rddreg [dreg:$0x12];
	s4 =	sadd.s32 $0x1, s4  }
0x1e: {  	p0 =	sne.s32 s4, s0  }
.Ltmp1:
0x1f: {  	_ = 	snop;
	(pc) =	sbr.rel @!p0 .LBB2_16-.Ltmp1, $1  }
0x20: {  	_ =	sdelay $0x3  }
.LBB2_1:
0x21: {  	s0 =	simm.s32 $0x40;
	s10 =	simm.s32 $0x0  }
.LBB2_2:
0x22: {  	p0 =	sne.s32 s0, $0x6180;
	[tilespmem:s10+$0x176F0] =	vst v0;
	s10 =	smov.u32 s0;
	s0 =	sadd.s32 $0x40, s0  }
.Ltmp2:
0x23: {  	(pc) =	sbr.rel @p0 .LBB2_2-.Ltmp2, $2  }
0x24: {  	_ =	sdelay $0x2  }
0x25: {  	s10 =	sshra.s32 s10, $0x2  }
0x26: {  	[dreg:$0x1b] =	wrdreg s4;
	[tilespmem:s10+$0x176F0] =	vst v0;
	s0 =	simm.s32 $0x0;
	s10 =	simm.s32 $0x0  }
.LBB2_4:
0x27: {  	p0 =	sne.s32 s10, $0x4FC0  }
.Ltmp3:
0x28: {  	_ = 	snop;
	(pc) =	sbr.rel @p0 .LBB2_4-.Ltmp3, $3  }
0x29: {  	_ =	sdelay $0x1  }
0x2a: {  	s11 =	sshra.s32 s10, $0x2  }
0x2b: {  	s10 =	sadd.s32 $0x40, s10;
	[tilespmem:s11+$0x162F0] =	vst v1  }
.Ltmp4:
0x2c: {  	(pc) =	sbr.rel .LBB2_6-.Ltmp4, $2  }
0x2d: {  	_ =	sdelay $0x2  }
0x2e: {  	p1 =	por $0x1, $0x1  }
.LBB2_14:
0x2f: {  	s0 =	simm.s32 $0xE  }
0x30: {  	_ =	swait.ge [sflag:s0], $0x1400  }
0x31: {  	[sflag:s0] =	ssyncset.done $0x0  }
0x32: {  	[sflag:s0] =	ssyncadd.s32 $0xFFFFEC00  }
0x33: {  	_ =	swait.ge [sflag:s0], $0x1400  }
0x34: {  	[sflag:s0] =	ssyncset.done $0x0  }
0x35: {  	s24 =	simm.s32 $0xF;
	[sflag:s0] =	ssyncadd.s32 $0xFFFFEC00  }
0x36: {  	_ =	swait.ge [sflag:s24], $0x1400  }
0x37: {  	[sflag:s24] =	ssyncset.done $0x0  }
0x38: {  	[sflag:s24] =	ssyncadd.s32 $0xFFFFEC00  }
0x39: {  	_ =	swait.ge [sflag:s24], $0x1400  }
0x3a: {  	[sflag:s24] =	ssyncset.done $0x0  }
0x3b: {  	[sflag:s24] =	ssyncadd.s32 $0xFFFFEC00  }
0x3c: {  	[bflag:$0x0] =	sbarrier.arrive $0xFFFF  }
0x3d: {  	s25 =	rddreg [dreg:$0x1c]  }
0x3e: {  	s12 =	simm.s32 $0x1C070;
	s24 =	simm.s32 $0x10;
	s10 =	rddreg [dreg:$0x18]  }
0x3f: {  	[tilespmem:s12], [sflag:$0x10] =	stream.linear.gather [spmem:s10], $0x300, $0x38;
	[tilespmem:$0x1D8F0] =	vst v63  }
0x40: {  	s0 =	smul.u32 $0x3000, s25;
	_ =	swait.ge [sflag:s24], $0x300  }
0x41: {  	s26 =	rddreg [dreg:$0xb]  }
0x42: {  	s10 =	sadd.s32 s26, s0  }
0x43: {  	[sflag:s24] =	ssyncset.done $0x0;
	s11 =	rddreg [dreg:$0xa];
	s10 =	sshrl.u32 s10, $0x3  }
0x44: {  	[sflag:s24] =	ssyncadd.s32 $0xFFFFFD00;
	s10 =	sadd.s32 s11, s10  }
0x45: {  	[hbm4b:s10+s7] =	stream.linear.scatter [tilespmem:s12], [sflag:$0x10], $0x300, $0x38;
	[tilespmem:$0x1D8F0] =	vst v63  }
0x46: {  	_ =	swait.ge [sflag:s24], $0x300  }
0x47: {  	[sflag:s24] =	ssyncset.done $0x0;
	s28 =	rddreg [dreg:$0x19]  }
0x48: {  	s31 =	rddreg [dreg:$0x11];
	[sflag:s24] =	ssyncadd.s32 $0xFFFFFD00  }
0x49: {  	[tilespmem:s12], [sflag:$0x10] =	stream.linear.gather [spmem:s28], $0x300, $0x38;
	[tilespmem:$0x1D8F0] =	vst v63  }
0x4a: {  	s0 =	sadd.s32 s31, s0;
	_ =	swait.ge [sflag:s24], $0x300  }
0x4b: {  	s0 =	sshrl.u32 s0, $0x3;
	[sflag:s24] =	ssyncset.done $0x0  }
0x4c: {  	s0 =	sadd.s32 s11, s0;
	[sflag:s24] =	ssyncadd.s32 $0xFFFFFD00  }
0x4d: {  	[hbm4b:s0+s7] =	stream.linear.scatter [tilespmem:s12], [sflag:$0x10], $0x300, $0x38;
	[tilespmem:$0x1D8F0] =	vst v63  }
.Ltmp5:
0x4e: {  	_ = 	snop;
	(pc) =	sbr.rel @!p0 .LBB2_15-.Ltmp5, $4  }
0x4f: {  	_ =	swait.ge [sflag:s24], $0x300  }
0x50: {  	p1 =	por $0x0, $0x0;
	[sflag:s24] =	ssyncset.done $0x0  }
0x51: {  	s29 =	simm.s32 $0x36F0;
	s15 =	rddreg [dreg:$0xd];
	[sflag:s24] =	ssyncadd.s32 $0xFFFFFD00  }
0x52: {  	s26 =	simm.s32 $0x5EF0;
	s0 =	simm.s32 $0x1;
	s30 =	rddreg [dreg:$0x2]  }
.LBB2_6:
0x53: {  	[bflag:$0x0] =	sbarrier.arrive $0xFFFF;
	s12 =	simm.s32 $0x176F0  }
0x54: {  	[spmem:s15] =	stream.linear.scatter [tilespmem:s12], [sflag:$0x10], $0x1870, $0x38;
	[tilespmem:$0x1D8F0] =	vst v63  }
0x55: {  	_ =	swait.ge [sflag:s24], $0x1870  }
0x56: {  	[sflag:s24] =	ssyncset.done $0x0  }
0x57: {  	s10 =	rddreg [dreg:$0xe];
	[sflag:s24] =	ssyncadd.s32 $0xFFFFE790  }
0x58: {  	[spmem:s10] =	stream.linear.scatter [tilespmem:s12], [sflag:$0x10], $0x308, $0x38;
	[tilespmem:$0x1D8F0] =	vst v63  }
0x59: {  	_ =	swait.ge [sflag:s24], $0x308  }
0x5a: {  	s23 =	rddreg [dreg:$0xc];
	[sflag:s24] =	ssyncset.done $0x0  }
0x5b: {  	s11 =	rddreg [dreg:$0xf];
	[sflag:s24] =	ssyncadd.s32 $0xFFFFFCF8  }
0x5c: {  	[spmem:s11] =	stream.linear.scatter [tilespmem:s12], [sflag:$0x10], $0x308, $0x38;
	[tilespmem:$0x1D8F0] =	vst v63  }
0x5d: {  	s5 =	sor.u32 s23, s0;
	_ =	swait.ge [sflag:s24], $0x308  }
0x5e: {  	s10 =	smul.u32 $0x190000, s5;
	[sflag:s24] =	ssyncset.done $0x0  }
0x5f: {  	s25 =	rddreg [dreg:$0x7];
	[sflag:s24] =	ssyncadd.s32 $0xFFFFFCF8  }
0x60: {  	s10 =	sadd.s32 s25, s10;
	[bflag:$0x0] =	sbarrier.arrive $0xFFFF  }
0x61: {  	s3 =	sshrl.u32 s10, $0x3;
	s13 =	rddreg [dreg:$0x1a]  }
0x62: {  	[dreg:$0x1f] =	wrdreg s3  }
0x63: {  	s22 =	smov.u32 s15;
	s15 =	rddreg [dreg:$0x13]  }
0x64: {  	s21 =	rddreg [dreg:$0x14]  }
0x65: {  	s23 =	rddreg [dreg:$0x16]  }
0x66: {  	s12 =	simm.s32 $0x0;
	s28 =	sadd.s32 $0x280, s3;
	s25 =	rddreg [dreg:$0x17]  }
0x67: {  	s4 =	sadd.s32 s13, s3;
	[smem:$0x7F9] =	sst s28;
	s6 =	sadd.s32 s13, s28  }
0x68: {  	[tilespmem:s29], [sflag:$0x1] =	stream.linear.gather [hbm4b:s4+s12], $0x1400, $0x38;
	[tilespmem:$0x1D8F0] =	vst v63  }
0x69: {  	s31 =	simm.s32 $0x4AF0;
	s3 =	sadd.s32 $0x500, s3;
	[smem:$0x7FA] =	sst s6  }
0x6a: {  	[tilespmem:s31], [sflag:$0x2] =	stream.linear.gather [hbm4b:s6+s12], $0x1400, $0x38;
	[tilespmem:$0x1D8F0] =	vst v63  }
0x6b: {  	[smem:$0x7FB] =	sst s3;
	s3 =	sadd.s32 s13, s3;
	s6 =	smul.u32 $0x190000, s0  }
0x6c: {  	[tilespmem:s26], [sflag:$0x3] =	stream.linear.gather [hbm4b:s3+s12], $0x1400, $0x38;
	[tilespmem:$0x1D8F0] =	vst v63  }
0x6d: {  	p0 =	por p1, p1;
	[smem:$0x7F8] =	sst s4;
	s10 =	sadd.s32 s6, s15  }
0x6e: {  	[smem:$0x7FC] =	sst s3;
	s11 =	sadd.s32 s6, s25;
	s3 =	sshrl.u32 s10, $0x3  }
0x6f: {  	s10 =	sadd.s32 s6, s21;
	s21 =	rddreg [dreg:$0x15];
	s11 =	sshrl.u32 s11, $0x3  }
0x70: {  	s20 =	sadd.s32 s3, s13;
	s4 =	sshrl.u32 s10, $0x3;
	s10 =	sadd.s32 s6, s23  }
0x71: {  	s25 =	sadd.s32 s6, s21;
	[dreg:$0x1d] =	wrdreg s20;
	s31 =	sadd.s32 s4, s13  }
0x72: {  	s28 =	sshrl.u32 s10, $0x3;
	s10 =	sadd.s32 s11, s13;
	[dreg:$0x1e] =	wrdreg s31  }
0x73: {  	s21 =	smov.u32 s25;
	[smem:$0x7FD] =	sst s28;
	s15 =	sadd.s32 s28, s13  }
.LBB2_7:
0x74: {  	s13 =	simm.s32 $0x1  }
0x75: {  	_ =	swait.ge [sflag:s13], $0x1400  }
0x76: {  	p1 =	seq.s32 s12, $0x0;
	[sflag:s13] =	ssyncset.done $0x0  }
0x77: {  	s23 =	simm.s32 @!p1 $0xE;
	[sflag:s13] =	ssyncadd.s32 $0xFFFFEC00  }
0x78: {  	[spmem:s30] =	stream.indirect.scatter.add.f32 [tilespmem:s8], [sflag:$0xB], $0x1, s29, s1, $0xb8;
	[tilespmem:$0x1D8F0] =	vst v63  }
0x79: {  	_ =	swait.ge @!p1 [sflag:s23], $0x1400  }
0x7a: {  	[sflag:s23] =	ssyncset.done @!p1 $0x0  }
0x7b: {  	s28 =	sadd.s32 s12, s10;
	[sflag:s23] =	ssyncadd.s32 @!p1 $0xFFFFEC00  }
0x7c: {  	[tilespmem:s9], [sflag:$0x4] =	stream.linear.gather [hbm4b:s28+s7], $0x1400, $0x38;
	[tilespmem:$0x1D8F0] =	vst v63  }
0x7d: {  	_ =	swait.ge [sflag:s14], $0x1400  }
0x7e: {  	[sflag:s14] =	ssyncset.done $0x0  }
0x7f: {  	s0 =	simm.s32 $0x4AF0;
	s23 =	simm.s32 @!p1 $0xF;
	[sflag:s14] =	ssyncadd.s32 $0xFFFFEC00  }
0x80: {  	[spmem:s30] =	stream.indirect.scatter.add.f32 [tilespmem:s8], [sflag:$0xC], $0x1, s0, s1, $0xb8;
	[tilespmem:$0x1D8F0] =	vst v63  }
0x81: {  	_ =	swait.ge @!p1 [sflag:s23], $0x1400  }
0x82: {  	[sflag:s23] =	ssyncset.done @!p1 $0x0  }
0x83: {  	s31 =	sadd.s32 s12, s15;
	s20 =	simm.s32 $0x86F0;
	[sflag:s23] =	ssyncadd.s32 @!p1 $0xFFFFEC00  }
0x84: {  	[tilespmem:s20], [sflag:$0x5] =	stream.linear.gather [hbm4b:s31+s7], $0x1400, $0x38;
	[tilespmem:$0x1D8F0] =	vst v63  }
0x85: {  	_ =	swait.ge [sflag:s16], $0x1400  }
0x86: {  	[sflag:s16] =	ssyncset.done $0x0  }
0x87: {  	[sflag:s16] =	ssyncadd.s32 $0xFFFFEC00  }
0x88: {  	[spmem:s30] =	stream.indirect.scatter.add.f32 [tilespmem:s8], [sflag:$0xD], $0x1, s26, s1, $0xb8;
	[tilespmem:$0x1D8F0] =	vst v63  }
0x89: {  	_ =	swait.ge [sflag:s17], $0x1400  }
0x8a: {  	p1 =	seq.s32 s12, $0x2580;
	[sflag:s17] =	ssyncset.done $0x0  }
0x8b: {  	s23 =	simm.s32 @p1 $0x4;
	[sflag:s17] =	ssyncadd.s32 $0xFFFFEC00  }
0x8c: {  	_ =	swait.ge @p1 [sflag:s23], $0x1400  }
0x8d: {  	s28 =	simm.s32 @p1 $0x162F0;
	[sflag:s23] =	ssyncset.done @p1 $0x0  }
0x8e: {  	s26 =	simm.s32 @p1 $0x72F0;
	[sflag:s23] =	ssyncadd.s32 @p1 $0xFFFFEC00;
	s23 =	simm.s32 @p1 $0x1400  }
0x8f: {  	[spmem:s30] =	stream.indirect.scatter.add.f32 @p1 [tilespmem:s28], [sflag:$0xE], $0x1, s26, s23, $0xb8;
	[tilespmem:$0x1D8F0] =	vst v63  }
0x90: {  	s23 =	simm.s32 @p1 $0xC  }
0x91: {  	_ =	swait.ge @p1 [sflag:s23], $0x1400  }
0x92: {  	[sflag:s23] =	ssyncset.done @p1 $0x0  }
0x93: {  	s13 =	rddreg [dreg:$0x1a];
	[sflag:s23] =	ssyncadd.s32 @p1 $0xFFFFEC00;
	s23 =	sshrl.u32 @!p1 s21, $0x3  }
0x94: {  	s26 =	simm.s32 @!p1 $0x0;
	s28 =	simm.s32 @!p1 $0x36F0;
	s23 =	sadd.s32 @!p1 s13, s23  }
0x95: {  	[tilespmem:s28], [sflag:$0x1] =	stream.linear.gather @!p1 [hbm4b:s23+s26], $0x1400, $0x38;
	[tilespmem:$0x1D8F0] =	vst v63  }
0x96: {  	s23 =	simm.s32 @!p1 $0x4  }
0x97: {  	_ =	swait.ge @!p1 [sflag:s23], $0x1400  }
0x98: {  	s31 =	simm.s32 @!p1 $0x162F0;
	[sflag:s23] =	ssyncset.done @!p1 $0x0  }
0x99: {  	s28 =	simm.s32 @!p1 $0x72F0;
	[sflag:s23] =	ssyncadd.s32 @!p1 $0xFFFFEC00;
	s23 =	simm.s32 @!p1 $0x1400  }
0x9a: {  	[spmem:s30] =	stream.indirect.scatter.add.f32 @!p1 [tilespmem:s31], [sflag:$0xE], $0x1, s28, s23, $0xb8;
	[tilespmem:$0x1D8F0] =	vst v63  }
0x9b: {  	s23 =	simm.s32 @!p1 $0xC  }
0x9c: {  	_ =	swait.ge @!p1 [sflag:s23], $0x1400  }
0x9d: {  	[sflag:s23] =	ssyncset.done @!p1 $0x0;
	s0 =	rddreg [dreg:$0x1e]  }
0x9e: {  	s28 =	simm.s32 @!p1 $0x4AF0;
	[sflag:s23] =	ssyncadd.s32 @!p1 $0xFFFFEC00;
	s23 =	sadd.s32 @!p1 s12, s0  }
0x9f: {  	[tilespmem:s28], [sflag:$0x2] =	stream.linear.gather @!p1 [hbm4b:s23+s26], $0x1400, $0x38;
	[tilespmem:$0x1D8F0] =	vst v63  }
0xa0: {  	_ =	swait.ge [sflag:s18], $0x1400  }
0xa1: {  	[sflag:s18] =	ssyncset.done $0x0  }
.Ltmp6:
0xa2: {  	[sflag:s18] =	ssyncadd.s32 $0xFFFFEC00;
	(pc) =	sbr.rel @p1 .LBB2_9-.Ltmp6, $4  }
0xa3: {  	[spmem:s30] =	stream.indirect.scatter.add.f32 [tilespmem:s8], [sflag:$0xF], $0x1, s20, s1, $0xb8;
	[tilespmem:$0x1D8F0] =	vst v63  }
0xa4: {  	_ =	swait.ge [sflag:s19], $0x1400  }
0xa5: {  	[sflag:s19] =	ssyncset.done $0x0  }
0xa6: {  	s13 =	simm.s32 $0x5EF0;
	[sflag:s19] =	ssyncadd.s32 $0xFFFFEC00  }
.Ltmp7:
0xa7: {  	(pc) =	sbr.rel .LBB2_7-.Ltmp7, $4  }
0xa8: {  	_ = 	snop  }
0xa9: {  	s0 =	rddreg [dreg:$0x1d];
	s21 =	sadd.s32 $0x6400, s21  }
0xaa: {  	s26 =	simm.s32 $0x5EF0;
	s23 =	sadd.s32 s12, s0;
	s12 =	sadd.s32 $0xC80, s12  }
0xab: {  	[tilespmem:s13], [sflag:$0x3] =	stream.linear.gather [hbm4b:s23+s7], $0x1400, $0x38;
	[tilespmem:$0x1D8F0] =	vst v63  }
.LBB2_9:
0xac: {  	s6 =	simm.s32 $0xE  }
0xad: {  	_ =	swait.ge [sflag:s6], $0x1400  }
0xae: {  	[sflag:s6] =	ssyncset.done $0x0  }
0xaf: {  	s23 =	simm.s32 $0xF;
	[sflag:s6] =	ssyncadd.s32 $0xFFFFEC00  }
0xb0: {  	_ =	swait.ge [sflag:s23], $0x1400  }
0xb1: {  	[sflag:s23] =	ssyncset.done $0x0  }
0xb2: {  	[sflag:s23] =	ssyncadd.s32 $0xFFFFEC00  }
0xb3: {  	[bflag:$0x0] =	sbarrier.arrive $0xFFFF  }
0xb4: {  	s26 =	simm.s32 $0x1A7F0;
	[dreg:$0x1c] =	wrdreg s5  }
0xb5: {  	[tilespmem:s26], [sflag:$0x10] =	stream.linear.gather [spmem:s22], $0x1870, $0x38;
	[tilespmem:$0x1D8F0] =	vst v63  }
0xb6: {  	s12 =	smul.u32 $0x18700, s5;
	_ =	swait.ge [sflag:s24], $0x1870  }
0xb7: {  	s20 =	rddreg [dreg:$0x8];
	[sflag:s24] =	ssyncset.done $0x0  }
0xb8: {  	s12 =	sadd.s32 s20, s12;
	[sflag:s24] =	ssyncadd.s32 $0xFFFFE790  }
0xb9: {  	s12 =	sshrl.u32 s12, $0x3;
	s29 =	rddreg [dreg:$0x0]  }
0xba: {  	s21 =	simm.s32 $0x0;
	s30 =	simm.s32 $0x18F70;
	s12 =	sadd.s32 s29, s12  }
0xbb: {  	[tilespmem:s30], [sflag:$0x10] =	stream.linear.gather [hbm4b:s12+s21], $0x1870, $0x38;
	[tilespmem:$0x1D8F0] =	vst v63  }
0xbc: {  	_ =	swait.ge [sflag:s24], $0x1870  }
0xbd: {  	[sflag:s24] =	ssyncset.done $0x0  }
0xbe: {  	s23 =	simm.s32 $0x0;
	[sflag:s24] =	ssyncadd.s32 $0xFFFFE790  }
0xbf: {  	v2 =	vld [tilespmem:s23+$0x1A7F0];
	_ =	sdelay $0x4  }
0xc0: {  	v2 =	vmax.f32 v2, $1.000000000e+00  }
0xc1: {  	s12 =	simm.s32 $0x10;
	v3 =	vshra.s32 v2, $0x1;
	v2 =	vmul.f32 $5.000000000e-01, v2  }
0xc2: {  	v4 =	vld [tilespmem:s12+$0x1A7F0];
	v5 =	vsub.s32 $0x5F3759DF, v3  }
0xc3: {  	v3 =	vmul.f32 v5, v2;
	_ =	sdelay $0x1  }
0xc4: {  	v3 =	vmul.f32 v5, v3;
	_ =	sdelay $0x1  }
0xc5: {  	s21 =	simm.s32 $0x20;
	v4 =	vmax.f32 v4, $1.000000000e+00;
	v6 =	vsub.f32 $1.500000000e+00, v3  }
0xc6: {  	v7 =	vshra.s32 v4, $0x1;
	v3 =	vmul.f32 $5.000000000e-01, v4;
	v4 =	vld [tilespmem:s21+$0x1A7F0]  }
0xc7: {  	v8 =	vsub.s32 $0x5F3759DF, v7;
	v5 =	vmul.f32 v5, v6  }
0xc8: {  	v6 =	vmul.f32 v8, v3  }
0xc9: {  	v7 =	vmul.f32 v5, v2  }
0xca: {  	v6 =	vmul.f32 v8, v6  }
0xcb: {  	v4 =	vmax.f32 v4, $1.000000000e+00;
	v7 =	vmul.f32 v7, v5  }
0xcc: {  	v6 =	vsub.f32 $1.500000000e+00, v6;
	v9 =	vshra.s32 v4, $0x1;
	v4 =	vmul.f32 $5.000000000e-01, v4  }
0xcd: {  	v10 =	vsub.f32 $1.500000000e+00, v7;
	v7 =	vsub.s32 $0x5F3759DF, v9  }
0xce: {  	s26 =	simm.s32 $0x30;
	v8 =	vmul.f32 v8, v6;
	v6 =	vmul.f32 v7, v4  }
0xcf: {  	v11 =	vld [tilespmem:s26+$0x1A7F0]  }
0xd0: {  	v5 =	vmul.f32 v10, v5;
	v6 =	vmul.f32 v7, v6  }
0xd1: {  	v9 =	vmul.f32 v8, v3  }
0xd2: {  	v2 =	vmul.f32 v5, v2;
	v10 =	vsub.f32 $1.500000000e+00, v6;
	v6 =	vld [tilespmem:s23+$0x18F70]  }
0xd3: {  	v13 =	vmul.f32 v9, v8  }
0xd4: {  	v11 =	vmax.f32 v11, $1.000000000e+00;
	v9 =	vmul.f32 v2, v5  }
0xd5: {  	s28 =	simm.s32 $0x40;
	s31 =	simm.s32 $0x140;
	v12 =	vshra.s32 v11, $0x1;
	v2 =	vmul.f32 $5.000000000e-01, v11;
	v11 =	vsub.f32 $1.500000000e+00, v13  }
.LBB2_10:
0xd6: {  	p1 =	sne.s32 s31, $0x6180;
	v13 =	vld [tilespmem:s28+$0x1A7F0];
	v10 =	vmul.f32 v7, v10;
	v7 =	vsub.s32 $0x5F3759DF, v12;
	v9 =	vsub.f32 $1.500000000e+00, v9;
	s29 =	smov.u32 s12;
	s12 =	smov.u32 s21  }
0xd7: {  	s21 =	smov.u32 s26;
	s26 =	smov.u32 s28;
	v12 =	vmul.f32 v7, v2;
	v11 =	vmul.f32 v11, v8;
	vm1 =	veq.f32 v6, v6  }
.Ltmp8:
0xd8: {  	v14 =	vmul.f32 v10, v4;
	v9 =	vmul.f32 v9, v5;
	vm1 =	vmand vm1, vm0;
	v8 =	vmovc v10;
	(pc) =	sbr.rel @p1 .LBB2_10-.Ltmp8, $4  }
0xd9: {  	v10 =	vmul.f32 v7, v12;
	v12 =	vmul.f32 v11, v3;
	v15 =	vnsel vm1, $0x0, v6;
	v6 =	vld [tilespmem:s29+$0x18F70];
	v5 =	vmovc v11;
	v3 =	vmovc v4  }
0xda: {  	v4 =	vmov v2;
	v11 =	vmul.f32 v14, v8;
	v14 =	vmul.f32 v9, v15  }
0xdb: {  	v2 =	vmax.f32 v13, $1.000000000e+00;
	v10 =	vsub.f32 $1.500000000e+00, v10;
	v9 =	vmul.f32 v12, v5  }
0xdc: {  	s28 =	sshra.s32 s31, $0x2;
	s31 =	sadd.s32 $0x40, s31;
	v12 =	vshra.s32 v2, $0x1;
	v2 =	vmul.f32 $5.000000000e-01, v2;
	v11 =	vsub.f32 $1.500000000e+00, v11;
	[tilespmem:s23+$0x1C070] =	vst v14;
	s23 =	smov.u32 s29  }
0xdd: {  	v13 =	vld [tilespmem:s28+$0x1A7F0];
	_ =	sdelay $0x2  }
0xde: {  	v12 =	vsub.s32 $0x5F3759DF, v12;
	v7 =	vmul.f32 v7, v10  }
0xdf: {  	v9 =	vsub.f32 $1.500000000e+00, v9;
	v47 =	vmul.f32 v12, v2  }
0xe0: {  	v8 =	vmul.f32 v11, v8;
	v48 =	vmul.f32 v7, v4;
	v13 =	vmax.f32 v13, $1.000000000e+00  }
0xe1: {  	vm1 =	veq.f32 v6, v6;
	v14 =	vshra.s32 v13, $0x1;
	v13 =	vmul.f32 $5.000000000e-01, v13  }
0xe2: {  	vm1 =	vmand vm1, vm0;
	v11 =	vmul.f32 v48, v7;
	v14 =	vsub.s32 $0x5F3759DF, v14  }
0xe3: {  	v5 =	vmul.f32 v9, v5;
	v49 =	vnsel vm1, $0x0, v6;
	v50 =	vmul.f32 v14, v13  }
0xe4: {  	v10 =	vmul.f32 v12, v47;
	v3 =	vmul.f32 v8, v3;
	v11 =	vsub.f32 $1.500000000e+00, v11  }
0xe5: {  	v51 =	vld [tilespmem:s12+$0x18F70];
	v5 =	vmul.f32 v5, v49;
	v9 =	vmul.f32 v14, v50  }
0xe6: {  	v10 =	vsub.f32 $1.500000000e+00, v10;
	v7 =	vmul.f32 v11, v7  }
0xe7: {  	v3 =	vmul.f32 v3, v8;
	[tilespmem:s23+$0x1C070] =	vst v5;
	v52 =	vsub.f32 $1.500000000e+00, v9  }
0xe8: {  	v53 =	vmul.f32 v12, v10;
	v55 =	vld [tilespmem:s21+$0x18F70];
	v54 =	vmul.f32 v7, v4  }
0xe9: {  	v3 =	vsub.f32 $1.500000000e+00, v3;
	v5 =	vmul.f32 v14, v52  }
0xea: {  	vm1 =	veq.f32 v51, v51;
	v56 =	vmul.f32 v53, v2;
	v4 =	vmul.f32 v54, v7  }
0xeb: {  	vm1 =	vmand vm1, vm0;
	v3 =	vmul.f32 v3, v8;
	v57 =	vmul.f32 v5, v13  }
0xec: {  	v6 =	vnsel vm1, $0x0, v51;
	v11 =	vmul.f32 v56, v53;
	v4 =	vsub.f32 $1.500000000e+00, v4  }
0xed: {  	v3 =	vmul.f32 v3, v6;
	vm1 =	veq.f32 v55, v55;
	v58 =	vmul.f32 v57, v5  }
0xee: {  	v59 =	vsub.f32 $1.500000000e+00, v11;
	vm1 =	vmand vm1, vm0;
	v4 =	vmul.f32 v4, v7  }
0xef: {  	v60 =	vnsel vm1, $0x0, v55;
	v6 =	vsub.f32 $1.500000000e+00, v58  }
0xf0: {  	[tilespmem:s12+$0x1C070] =	vst v3;
	v3 =	vmul.f32 v59, v53;
	v4 =	vmul.f32 v4, v60  }
0xf1: {  	v5 =	vmul.f32 v6, v5  }
0xf2: {  	v61 =	vld [tilespmem:s26+$0x18F70];
	v2 =	vmul.f32 v3, v2;
	[tilespmem:s21+$0x1C070] =	vst v4  }
0xf3: {  	v63 =	vld [tilespmem:s28+$0x18F70];
	v62 =	vmul.f32 v5, v13  }
0xf4: {  	v2 =	vmul.f32 v2, v3  }
0xf5: {  	v4 =	vmul.f32 v62, v5  }
0xf6: {  	v2 =	vsub.f32 $1.500000000e+00, v2  }
0xf7: {  	vm1 =	veq.f32 v61, v61;
	v4 =	vsub.f32 $1.500000000e+00, v4  }
0xf8: {  	vm1 =	vmand vm1, vm0;
	v2 =	vmul.f32 v2, v3;
	vm2 =	veq.f32 v63, v63  }
0xf9: {  	v3 =	vnsel vm1, $0x0, v61;
	vm1 =	vmand vm2, vm0;
	v4 =	vmul.f32 v4, v5  }
0xfa: {  	v2 =	vmul.f32 v2, v3;
	v3 =	vnsel vm1, $0x0, v63  }
0xfb: {  	v3 =	vmul.f32 v4, v3  }
0xfc: {  	[tilespmem:s26+$0x1C070] =	vst v2  }
0xfd: {  	s6 =	simm.s32 $0x1C070;
	s21 =	rddreg [dreg:$0x10];
	[tilespmem:s28+$0x1C070] =	vst v3  }
0xfe: {  	[spmem:s21] =	stream.linear.scatter [tilespmem:s6], [sflag:$0x10], $0x1870, $0x38;
	[tilespmem:$0x1D8F0] =	vst v63  }
0xff: {  	_ =	swait.ge [sflag:s24], $0x1870  }
0x100: {  	[sflag:s24] =	ssyncset.done $0x0  }
0x101: {  	[sflag:s24] =	ssyncadd.s32 $0xFFFFE790  }
0x102: {  	[bflag:$0x0] =	sbarrier.arrive $0xFFFF  }
0x103: {  	s0 =	sld [smem:$0x7F8]  }
0x104: {  	s20 =	rddreg [dreg:$0x9]  }
0x105: {  	s22 =	rddreg [dreg:$0x1f]  }
0x106: {  	s26 =	simm.s32 $0x0;
	s21 =	simm.s32 $0x36F0;
	s29 =	sld [smem:$0x7FA]  }
0x107: {  	[tilespmem:s21], [sflag:$0x1] =	stream.linear.gather [hbm4b:s0+s26], $0x1400, $0x38;
	[tilespmem:$0x1D8F0] =	vst v63  }
0x108: {  	s24 =	simm.s32 $0x9AF0;
	s30 =	sld [smem:$0x7F9];
	s23 =	sadd.s32 s20, s22  }
0x109: {  	[tilespmem:s24], [sflag:$0x1] =	stream.linear.gather [hbm4b:s23+s26], $0x1400, $0x38;
	[tilespmem:$0x1D8F0] =	vst v63  }
0x10a: {  	s5 =	sld [smem:$0x7FC];
	s23 =	simm.s32 $0x4AF0  }
0x10b: {  	[tilespmem:s23], [sflag:$0x2] =	stream.linear.gather [hbm4b:s29+s26], $0x1400, $0x38;
	[tilespmem:$0x1D8F0] =	vst v63  }
0x10c: {  	s6 =	sld [smem:$0x7FB];
	s0 =	sadd.s32 s20, s30  }
0x10d: {  	[tilespmem:s2], [sflag:$0x2] =	stream.linear.gather [hbm4b:s0+s26], $0x1400, $0x38;
	[tilespmem:$0x1D8F0] =	vst v63  }
0x10e: {  	s13 =	simm.s32 $0x5EF0  }
0x10f: {  	[tilespmem:s13], [sflag:$0x3] =	stream.linear.gather [hbm4b:s5+s26], $0x1400, $0x38;
	[tilespmem:$0x1D8F0] =	vst v63  }
0x110: {  	s22 =	simm.s32 $0x1;
	s9 =	sadd.s32 s20, s6;
	s24 =	simm.s32 $0xC2F0  }
0x111: {  	[tilespmem:s24], [sflag:$0x3] =	stream.linear.gather [hbm4b:s9+s26], $0x1400, $0x38;
	[tilespmem:$0x1D8F0] =	vst v63  }
0x112: {  	_ =	swait.ge [sflag:s22], $0x1400  }
0x113: {  	[sflag:s22] =	ssyncset.done $0x0  }
0x114: {  	[sflag:s22] =	ssyncadd.s32 $0xFFFFEC00  }
0x115: {  	_ =	swait.ge [sflag:s22], $0x1400  }
0x116: {  	[sflag:s22] =	ssyncset.done $0x0  }
0x117: {  	[sflag:s22] =	ssyncadd.s32 $0xFFFFEC00  }
0x118: {  	s29 =	simm.s32 $0xFEF0;
	s31 =	rddreg [dreg:$0x5]  }
0x119: {  	[tilespmem:s29], [sflag:$0x6] =	stream.indirect.gather [spmem:s31], $0x1, s21, s1, $0xb8;
	[tilespmem:$0x1D8F0] =	vst v63  }
0x11a: {  	_ =	swait.ge [sflag:s14], $0x1400  }
0x11b: {  	[sflag:s14] =	ssyncset.done $0x0  }
0x11c: {  	[sflag:s14] =	ssyncadd.s32 $0xFFFFEC00  }
0x11d: {  	_ =	swait.ge [sflag:s14], $0x1400  }
0x11e: {  	[sflag:s14] =	ssyncset.done $0x0;
	s30 =	sld [smem:$0x7FD]  }
0x11f: {  	s12 =	sadd.s32 s3, s20;
	s2 =	simm.s32 $0x112F0;
	[sflag:s14] =	ssyncadd.s32 $0xFFFFEC00  }
0x120: {  	[tilespmem:s2], [sflag:$0x7] =	stream.indirect.gather [spmem:s31], $0x1, s23, s1, $0xb8;
	[tilespmem:$0x1D8F0] =	vst v63  }
0x121: {  	s28 =	sadd.s32 s11, s20;
	s23 =	sadd.s32 s4, s20;
	s21 =	sadd.s32 s30, s20  }
.LBB2_12:
0x122: {  	s0 =	simm.s32 $0x6  }
0x123: {  	_ =	swait.ge [sflag:s0], $0x1400  }
0x124: {  	[sflag:s0] =	ssyncset.done $0x0  }
0x125: {  	s9 =	simm.s32 $0x9AF0;
	[sflag:s0] =	ssyncadd.s32 $0xFFFFEC00  }
0x126: {  	s11 =	simm.s32 $0xFEF0;
	p1 =	seq.s32 s26, $0x0;
	s4 =	rddreg [dreg:$0x3]  }
0x127: {  	[spmem:s4] =	stream.indirect.scatter.add.f32 [tilespmem:s11], [sflag:$0xB], $0x1, s9, s1, $0xb8;
	[tilespmem:$0x1D8F0] =	vst v63  }
0x128: {  	s29 =	simm.s32 @!p1 $0xE;
	s5 =	rddreg [dreg:$0x4]  }
0x129: {  	[spmem:s5] =	stream.indirect.scatter.add.f32 [tilespmem:s8], [sflag:$0xB], $0x1, s9, s1, $0xb8;
	[tilespmem:$0x1D8F0] =	vst v63  }
0x12a: {  	_ =	swait.ge @!p1 [sflag:s29], $0x1400  }
0x12b: {  	[sflag:s29] =	ssyncset.done @!p1 $0x0  }
0x12c: {  	[sflag:s29] =	ssyncadd.s32 @!p1 $0xFFFFEC00  }
0x12d: {  	_ =	swait.ge @!p1 [sflag:s29], $0x1400  }
0x12e: {  	[sflag:s29] =	ssyncset.done @!p1 $0x0  }
0x12f: {  	[sflag:s29] =	ssyncadd.s32 @!p1 $0xFFFFEC00  }
0x130: {  	_ =	swait.ge [sflag:s16], $0x1400  }
0x131: {  	[sflag:s16] =	ssyncset.done $0x0  }
0x132: {  	[sflag:s16] =	ssyncadd.s32 $0xFFFFEC00  }
0x133: {  	_ =	swait.ge [sflag:s16], $0x1400  }
0x134: {  	[sflag:s16] =	ssyncset.done $0x0  }
0x135: {  	s0 =	simm.s32 $0x126F0;
	[sflag:s16] =	ssyncadd.s32 $0xFFFFEC00  }
0x136: {  	[tilespmem:s0], [sflag:$0x8] =	stream.indirect.gather [spmem:s31], $0x1, s13, s1, $0xb8;
	[tilespmem:$0x1D8F0] =	vst v63  }
0x137: {  	s20 =	simm.s32 $0x72F0;
	s13 =	sadd.s32 s26, s10  }
0x138: {  	[tilespmem:s20], [sflag:$0x4] =	stream.linear.gather [hbm4b:s13+s7], $0x1400, $0x38;
	[tilespmem:$0x1D8F0] =	vst v63  }
0x139: {  	s22 =	sadd.s32 s26, s28;
	s30 =	simm.s32 $0xD6F0;
	s29 =	simm.s32 $0x7  }
0x13a: {  	[tilespmem:s30], [sflag:$0x4] =	stream.linear.gather [hbm4b:s22+s7], $0x1400, $0x38;
	[tilespmem:$0x1D8F0] =	vst v63  }
0x13b: {  	_ =	swait.ge [sflag:s29], $0x1400  }
0x13c: {  	[sflag:s29] =	ssyncset.done $0x0  }
0x13d: {  	s6 =	simm.s32 $0xAEF0;
	[sflag:s29] =	ssyncadd.s32 $0xFFFFEC00  }
0x13e: {  	[spmem:s4] =	stream.indirect.scatter.add.f32 [tilespmem:s2], [sflag:$0xC], $0x1, s6, s1, $0xb8;
	[tilespmem:$0x1D8F0] =	vst v63  }
0x13f: {  	s29 =	simm.s32 @!p1 $0xF  }
0x140: {  	[spmem:s5] =	stream.indirect.scatter.add.f32 [tilespmem:s8], [sflag:$0xC], $0x1, s6, s1, $0xb8;
	[tilespmem:$0x1D8F0] =	vst v63  }
0x141: {  	_ =	swait.ge @!p1 [sflag:s29], $0x1400  }
0x142: {  	[sflag:s29] =	ssyncset.done @!p1 $0x0  }
0x143: {  	[sflag:s29] =	ssyncadd.s32 @!p1 $0xFFFFEC00  }
0x144: {  	_ =	swait.ge @!p1 [sflag:s29], $0x1400  }
0x145: {  	[sflag:s29] =	ssyncset.done @!p1 $0x0  }
0x146: {  	s3 =	smov.u32 s10;
	s10 =	simm.s32 $0x4;
	[sflag:s29] =	ssyncadd.s32 @!p1 $0xFFFFEC00  }
0x147: {  	_ =	swait.ge [sflag:s10], $0x1400  }
0x148: {  	[sflag:s10] =	ssyncset.done $0x0  }
0x149: {  	[sflag:s10] =	ssyncadd.s32 $0xFFFFEC00  }
0x14a: {  	_ =	swait.ge [sflag:s10], $0x1400  }
0x14b: {  	[sflag:s10] =	ssyncset.done $0x0  }
0x14c: {  	[sflag:s10] =	ssyncadd.s32 $0xFFFFEC00;
	s10 =	simm.s32 $0x13AF0  }
0x14d: {  	[tilespmem:s10], [sflag:$0x9] =	stream.indirect.gather [spmem:s31], $0x1, s20, s1, $0xb8;
	[tilespmem:$0x1D8F0] =	vst v63  }
0x14e: {  	s13 =	simm.s32 $0x86F0;
	s22 =	smov.u32 s15;
	s15 =	sadd.s32 s26, s15  }
0x14f: {  	[tilespmem:s13], [sflag:$0x5] =	stream.linear.gather [hbm4b:s15+s7], $0x1400, $0x38;
	[tilespmem:$0x1D8F0] =	vst v63  }
0x150: {  	s20 =	sadd.s32 s26, s21;
	s15 =	simm.s32 $0xEAF0  }
0x151: {  	[tilespmem:s15], [sflag:$0x5] =	stream.linear.gather [hbm4b:s20+s7], $0x1400, $0x38;
	[tilespmem:$0x1D8F0] =	vst v63  }
0x152: {  	s20 =	simm.s32 $0x8  }
0x153: {  	_ =	swait.ge [sflag:s20], $0x1400  }
0x154: {  	[sflag:s20] =	ssyncset.done $0x0  }
0x155: {  	[sflag:s20] =	ssyncadd.s32 $0xFFFFEC00  }
0x156: {  	[spmem:s4] =	stream.indirect.scatter.add.f32 [tilespmem:s0], [sflag:$0xD], $0x1, s24, s1, $0xb8;
	[tilespmem:$0x1D8F0] =	vst v63  }
0x157: {  	_ = 	snop  }
0x158: {  	[spmem:s5] =	stream.indirect.scatter.add.f32 [tilespmem:s8], [sflag:$0xD], $0x1, s24, s1, $0xb8;
	[tilespmem:$0x1D8F0] =	vst v63  }
0x159: {  	_ =	swait.ge [sflag:s17], $0x1400  }
0x15a: {  	[sflag:s17] =	ssyncset.done $0x0  }
0x15b: {  	[sflag:s17] =	ssyncadd.s32 $0xFFFFEC00  }
0x15c: {  	_ =	swait.ge [sflag:s17], $0x1400  }
0x15d: {  	[sflag:s17] =	ssyncset.done $0x0  }
0x15e: {  	[sflag:s17] =	ssyncadd.s32 $0xFFFFEC00  }
0x15f: {  	_ =	swait.ge [sflag:s18], $0x1400  }
0x160: {  	[sflag:s18] =	ssyncset.done $0x0  }
0x161: {  	[sflag:s18] =	ssyncadd.s32 $0xFFFFEC00  }
0x162: {  	_ =	swait.ge [sflag:s18], $0x1400  }
0x163: {  	s6 =	simm.s32 $0x14EF0;
	p1 =	seq.s32 s26, $0x2580;
	[sflag:s18] =	ssyncset.done $0x0  }
0x164: {  	s29 =	sshrl.u32 @!p1 s25, $0x3;
	s20 =	rddreg [dreg:$0x1a];
	[sflag:s18] =	ssyncadd.s32 $0xFFFFEC00  }
0x165: {  	[tilespmem:s6], [sflag:$0xA] =	stream.indirect.gather [spmem:s31], $0x1, s13, s1, $0xb8;
	[tilespmem:$0x1D8F0] =	vst v63  }
0x166: {  	s24 =	simm.s32 @!p1 $0x0;
	s31 =	sadd.s32 @!p1 s20, s29;
	s20 =	simm.s32 @!p1 $0x36F0  }
0x167: {  	[tilespmem:s20], [sflag:$0x1] =	stream.linear.gather @!p1 [hbm4b:s31+s24], $0x1400, $0x38;
	[tilespmem:$0x1D8F0] =	vst v63  }
0x168: {  	s31 =	rddreg [dreg:$0x9]  }
0x169: {  	s29 =	sadd.s32 @!p1 s31, s29;
	s31 =	simm.s32 @!p1 $0x9AF0  }
0x16a: {  	[tilespmem:s31], [sflag:$0x1] =	stream.linear.gather @!p1 [hbm4b:s29+s24], $0x1400, $0x38;
	[tilespmem:$0x1D8F0] =	vst v63  }
0x16b: {  	s29 =	simm.s32 $0x9  }
0x16c: {  	_ =	swait.ge [sflag:s29], $0x1400  }
0x16d: {  	[sflag:s29] =	ssyncset.done $0x0  }
0x16e: {  	[sflag:s29] =	ssyncadd.s32 $0xFFFFEC00  }
0x16f: {  	[spmem:s4] =	stream.indirect.scatter.add.f32 [tilespmem:s10], [sflag:$0xE], $0x1, s30, s1, $0xb8;
	[tilespmem:$0x1D8F0] =	vst v63  }
0x170: {  	s29 =	simm.s32 $0xC  }
0x171: {  	[spmem:s5] =	stream.indirect.scatter.add.f32 [tilespmem:s8], [sflag:$0xE], $0x1, s30, s1, $0xb8;
	[tilespmem:$0x1D8F0] =	vst v63  }
0x172: {  	_ =	swait.ge [sflag:s29], $0x1400  }
0x173: {  	[sflag:s29] =	ssyncset.done $0x0  }
0x174: {  	[sflag:s29] =	ssyncadd.s32 $0xFFFFEC00  }
0x175: {  	_ =	swait.ge [sflag:s29], $0x1400  }
0x176: {  	[sflag:s29] =	ssyncset.done $0x0  }
0x177: {  	[sflag:s29] =	ssyncadd.s32 $0xFFFFEC00;
	s29 =	simm.s32 @!p1 $0x1  }
0x178: {  	_ =	swait.ge @!p1 [sflag:s29], $0x1400  }
0x179: {  	[sflag:s29] =	ssyncset.done @!p1 $0x0  }
0x17a: {  	[sflag:s29] =	ssyncadd.s32 @!p1 $0xFFFFEC00  }
0x17b: {  	_ =	swait.ge @!p1 [sflag:s29], $0x1400  }
0x17c: {  	[sflag:s29] =	ssyncset.done @!p1 $0x0  }
0x17d: {  	s10 =	rddreg [dreg:$0x1e];
	[sflag:s29] =	ssyncadd.s32 @!p1 $0xFFFFEC00  }
0x17e: {  	s31 =	simm.s32 @!p1 $0xFEF0;
	s29 =	simm.s32 @!p1 $0x1400;
	s30 =	rddreg [dreg:$0x5]  }
0x17f: {  	[tilespmem:s31], [sflag:$0x6] =	stream.indirect.gather @!p1 [spmem:s30], $0x1, s20, s29, $0xb8;
	[tilespmem:$0x1D8F0] =	vst v63  }
0x180: {  	s20 =	sadd.s32 @!p1 s26, s10;
	s29 =	simm.s32 @!p1 $0x4AF0  }
0x181: {  	[tilespmem:s29], [sflag:$0x2] =	stream.linear.gather @!p1 [hbm4b:s20+s24], $0x1400, $0x38;
	[tilespmem:$0x1D8F0] =	vst v63  }
0x182: {  	s30 =	simm.s32 $0xA;
	s20 =	sadd.s32 @!p1 s26, s23;
	s29 =	simm.s32 @!p1 $0xAEF0  }
0x183: {  	[tilespmem:s29], [sflag:$0x2] =	stream.linear.gather @!p1 [hbm4b:s20+s24], $0x1400, $0x38;
	[tilespmem:$0x1D8F0] =	vst v63  }
0x184: {  	s31 =	rddreg [dreg:$0x5];
	_ =	swait.ge [sflag:s30], $0x1400  }
0x185: {  	[sflag:s30] =	ssyncset.done $0x0  }
0x186: {  	[sflag:s30] =	ssyncadd.s32 $0xFFFFEC00  }
0x187: {  	[spmem:s4] =	stream.indirect.scatter.add.f32 [tilespmem:s6], [sflag:$0xF], $0x1, s15, s1, $0xb8;
	[tilespmem:$0x1D8F0] =	vst v63  }
0x188: {  	_ = 	snop  }
0x189: {  	[spmem:s5] =	stream.indirect.scatter.add.f32 [tilespmem:s8], [sflag:$0xF], $0x1, s15, s1, $0xb8;
	[tilespmem:$0x1D8F0] =	vst v63  }
0x18a: {  	_ =	swait.ge [sflag:s19], $0x1400  }
.Ltmp9:
0x18b: {  	[sflag:s19] =	ssyncset.done $0x0;
	(pc) =	sbr.rel @p1 .LBB2_14-.Ltmp9, $4  }
0x18c: {  	[sflag:s19] =	ssyncadd.s32 $0xFFFFEC00  }
0x18d: {  	s11 =	simm.s32 $0x112F0;
	_ =	swait.ge [sflag:s19], $0x1400  }
0x18e: {  	s9 =	simm.s32 $0x72F0;
	s2 =	simm.s32 $0xAEF0;
	[sflag:s19] =	ssyncset.done $0x0  }
0x18f: {  	s0 =	simm.s32 $0xC2F0;
	s13 =	simm.s32 $0x5EF0;
	[sflag:s19] =	ssyncadd.s32 $0xFFFFEC00  }
0x190: {  	_ =	swait.ge [sflag:s14], $0x1400  }
0x191: {  	[sflag:s14] =	ssyncset.done $0x0  }
0x192: {  	[sflag:s14] =	ssyncadd.s32 $0xFFFFEC00  }
0x193: {  	_ =	swait.ge [sflag:s14], $0x1400  }
0x194: {  	s2 =	simm.s32 $0x4AF0;
	[sflag:s14] =	ssyncset.done $0x0  }
0x195: {  	s30 =	sadd.s32 s26, s12;
	s25 =	sadd.s32 $0x6400, s25;
	[sflag:s14] =	ssyncadd.s32 $0xFFFFEC00  }
0x196: {  	[tilespmem:s11], [sflag:$0x7] =	stream.indirect.gather [spmem:s31], $0x1, s2, s1, $0xb8;
	[tilespmem:$0x1D8F0] =	vst v63  }
.Ltmp10:
0x197: {  	s24 =	simm.s32 $0xC2F0;
	s29 =	rddreg [dreg:$0x1d];
	(pc) =	sbr.rel .LBB2_12-.Ltmp10, $4  }
0x198: {  	s15 =	smov.u32 s22;
	s10 =	smov.u32 s3;
	s20 =	sadd.s32 s26, s29  }
0x199: {  	[tilespmem:s13], [sflag:$0x3] =	stream.linear.gather [hbm4b:s20+s7], $0x1400, $0x38;
	[tilespmem:$0x1D8F0] =	vst v63  }
0x19a: {  	s26 =	sadd.s32 $0xC80, s26;
	s2 =	simm.s32 $0x112F0;
	s13 =	simm.s32 $0x5EF0  }
0x19b: {  	[tilespmem:s0], [sflag:$0x3] =	stream.linear.gather [hbm4b:s30+s7], $0x1400, $0x38;
	[tilespmem:$0x1D8F0] =	vst v63  }
.LBB2_16:
0x19c: {  	_ =	sfence.sel $0x180000  }
0x19d: {  	[bflag:$0x0] =	sbarrier.arrive $0xFFFF  }
0x19e: {  	_ =	strace $0x90000047  }
0x19f: {  	s0 =	stileid.u32;
	[bflag:$0x2] =	sbarrier.arrive $0xFFFF  }
0x1a0: {  	p0 =	sne.s32 s0, $0x0;
	s0 =	rddreg [dreg:$0x6]  }
0x1a1: {  	s0 =	sadd.s32 @!p0 $0x100000, s0  }
0x1a2: {  	[sflag:s0] =	ssyncadd.tile.s32 @!p0 $0x1;
	_ =	shalt  }
.Lfunc_end2:
_tile_overlayer_lowered:
.L_overlay_start_2:
0x1a3: {  	(tag) =	ssettag $0x2  }
0x1a4: {  	s0 =	rddreg [dreg:$0x0];
	s2 =	stileid.u32  }
0x1a5: {  	s1 =	rddreg [dreg:$0x1];
	p0 =	sne.s32 s2, $0x0  }
0x1a6: {  	s3 =	rddreg [dreg:$0x2];
	[bflag:$0x3] =	sbarrier.arrive $0xFFFF;
	s2 =	simm.s32 @!p0 $0x1C10  }
0x1a7: {  	[timem:s3], [sflag:s2] =	dma.local @!p0 [hbm:s0], s1  }
0x1a8: {  	s0 =	simm.s32 @!p0 $0x10  }
0x1a9: {  	_ =	swait.ge @!p0 [sflag:s0], s1  }
0x1aa: {  	s1 =	ssub.s32 @!p0 $0x0, s1;
	[sflag:s0] =	ssyncset.done @!p0 $0x0  }
0x1ab: {  	[sflag:s0] =	ssyncadd.s32 @!p0 s1  }
0x1ac: {  	[bflag:$0x3] =	sbarrier.arrive $0xFFFF  }
0x1ad: {  	_ =	shalt  }

</sc_bundles>
